<compile_context>
chip_gen: v7x
topology: tpu7x:2x2x1
jax: 0.10.2.dev20260603
libtpu: 0.0.44.dev20260713+nightly
codegen_flags: <defaults>
</compile_context>

<pallas_src>
import functools

import jax
import jax.numpy as jnp
from jax import lax
from jax.experimental import pallas as pl
from jax.experimental.pallas import tpu as pltpu
from jax.experimental.pallas import tpu_sc as plsc

D_MODEL = 768
N_EXPERTS = 64
K = 8
N_TOKENS = 32768
BLOCK = 4096
AUX_COEF = 0.001

SC_CORES = 2
SC_SUBCORES = 16
N_WORKERS = SC_CORES * SC_SUBCORES
TOK_PER_W = N_TOKENS // N_WORKERS


def _dense_body(x_ref, w_ref, probs_ref, aux_ref, acc_ref):
    step = pl.program_id(0)
    nsteps = pl.num_programs(0)

    x = x_ref[...]
    w = w_ref[...]
    logits = lax.dot_general(
        w, x, (((1,), (1,)), ((), ())), preferred_element_type=jnp.float32
    )

    colmax = jnp.max(logits, axis=0, keepdims=True)
    e = jnp.exp(logits - colmax)
    colsum = jnp.sum(e, axis=0, keepdims=True)
    probs = e * (1.0 / colsum)
    probs_ref[...] = probs

    @pl.when(step == 0)
    def _():
        acc_ref[...] = jnp.zeros_like(acc_ref)

    acc_ref[...] += jnp.sum(probs, axis=1, keepdims=True)

    @pl.when(step == nsteps - 1)
    def _():
        avg = acc_ref[...] * (1.0 / N_TOKENS)
        aux_ref[...] = jnp.sum(avg * avg) * (N_EXPERTS * AUX_COEF) * jnp.ones_like(
            aux_ref
        )


def _topk_body(probs_hbm, idx_hbm, wgt_hbm, pbuf, ibuf, wbuf):
    c = lax.axis_index("c")
    s = lax.axis_index("s")
    wid = s * SC_CORES + c
    t0 = wid * TOK_PER_W

    pltpu.sync_copy(probs_hbm.at[:, pl.ds(t0, TOK_PER_W)], pbuf)

    lanes = lax.broadcasted_iota(jnp.int32, (16,), 0)
    mask8 = lanes < 8
    eids = [lanes + 16 * q for q in range(4)]

    def merge(ab, cd):
        ka, va = ab
        kb, vb = cd
        rkb = lax.rev(kb, (0,))
        rvb = lax.rev(vb, (0,))
        mk = jnp.where(mask8, ka, rkb)
        mv = jnp.where(mask8, va, rvb)
        return plsc.sort_key_val(mk, mv, descending=True)

    TB = 8

    def token_group(tg, carry):
        base = tg * TB
        runs = []
        for u in range(TB):
            tvec = jnp.full((16,), base + u, jnp.int32)
            runs.append(
                [
                    plsc.sort_key_val(
                        plsc.load_gather(pbuf, [eids[q], tvec]),
                        eids[q],
                        descending=True,
                    )
                    for q in range(4)
                ]
            )
        tops = []
        for u in range(TB):
            top_ab = merge(runs[u][0], runs[u][1])
            top_cd = merge(runs[u][2], runs[u][3])
            tops.append((top_ab, top_cd))
        for u in range(TB):
            kf, vf = merge(*tops[u])
            tot = jnp.sum(jnp.where(mask8, kf, 0.0))
            w = kf / tot
            o = (base + u) * K
            ibuf[pl.ds(o, 16)] = vf
            wbuf[pl.ds(o, 16)] = w
        return carry

    lax.fori_loop(0, TOK_PER_W // TB, token_group, 0)

    nout = TOK_PER_W * K
    pltpu.sync_copy(ibuf.at[pl.ds(0, nout)], idx_hbm.at[pl.ds(t0 * K, nout)])
    pltpu.sync_copy(wbuf.at[pl.ds(0, nout)], wgt_hbm.at[pl.ds(t0 * K, nout)])


@jax.jit
def _router(hidden_states, W):
    nblocks = N_TOKENS // BLOCK
    probs, aux = pl.pallas_call(
        _dense_body,
        grid=(nblocks,),
        in_specs=[
            pl.BlockSpec((BLOCK, D_MODEL), lambda i: (i, 0)),
            pl.BlockSpec((N_EXPERTS, D_MODEL), lambda i: (0, 0)),
        ],
        out_specs=(
            pl.BlockSpec((N_EXPERTS, BLOCK), lambda i: (0, i)),
            pl.BlockSpec((1, 1), lambda i: (0, 0)),
        ),
        out_shape=(
            jax.ShapeDtypeStruct((N_EXPERTS, N_TOKENS), jnp.float32),
            jax.ShapeDtypeStruct((1, 1), jnp.float32),
        ),
        scratch_shapes=[pltpu.VMEM((N_EXPERTS, 1), jnp.float32)],
    )(hidden_states, W)

    mesh = plsc.VectorSubcoreMesh(
        core_axis_name="c",
        subcore_axis_name="s",
        num_cores=SC_CORES,
        num_subcores=SC_SUBCORES,
    )
    idx, wgt = pl.kernel(
        _topk_body,
        out_type=(
            jax.ShapeDtypeStruct((N_TOKENS * K,), jnp.int32),
            jax.ShapeDtypeStruct((N_TOKENS * K,), jnp.float32),
        ),
        mesh=mesh,
        scratch_types=[
            pltpu.VMEM((N_EXPERTS, TOK_PER_W), jnp.float32),
            pltpu.VMEM((TOK_PER_W * K + 16,), jnp.int32),
            pltpu.VMEM((TOK_PER_W * K + 16,), jnp.float32),
        ],
        compiler_params=pltpu.CompilerParams(needs_layout_passes=False),
    )(probs)
    return idx.reshape(N_TOKENS, K), wgt.reshape(N_TOKENS, K), aux[0, 0]


def kernel(hidden_states, W):
    return _router(hidden_states, W)

# --- scband reference (transcript-rebuilt; emitter-appended) ---
"""Pipeline reference for scband-standard-router-13761075216637 (READ-ONLY COPY).

The authoritative reference and input builder live on the scoring server;
editing this copy changes nothing except your own understanding.
"""

import jax, jax.numpy as jnp
import numpy as np

D_MODEL = 768
NUM_EXPERTS = 64
TOP_K = 8
AUX_W = 0.001


def setup_inputs(seed: int = 0) -> dict:
    key = jax.random.key(seed)
    k1, k2 = jax.random.split(key)
    hidden_states = jax.random.normal(k1, (32768, D_MODEL), dtype=jnp.float32)
    # xavier_uniform with gain=0.01 for gate weight [num_experts, d_model]
    limit = 0.01 * np.sqrt(6.0 / (D_MODEL + NUM_EXPERTS))
    W = jax.random.uniform(k2, (NUM_EXPERTS, D_MODEL), dtype=jnp.float32, minval=-limit, maxval=limit)
    return {"hidden_states": hidden_states, "W": W}


def reference(hidden_states, W):
    # gate: Linear(d_model, num_experts, bias=False) -> x @ W.T
    router_logits = hidden_states @ W.T
    router_probs = jax.nn.softmax(router_logits, axis=-1)
    expert_weights, expert_indices = jax.lax.top_k(router_probs, TOP_K)
    expert_weights = expert_weights / jnp.sum(expert_weights, axis=-1, keepdims=True)
    # training=True, balance_loss_type='seqlen'
    avg_prob = jnp.mean(router_probs, axis=0)
    aux_loss = NUM_EXPERTS * jnp.sum(avg_prob ** 2)
    aux_loss = aux_loss * AUX_W
    return (expert_indices, expert_weights, aux_loss)

if __name__ == "__main__":
    import jax
    _d = setup_inputs()
    print(jax.jit(kernel)(*tuple(_d.values())))

</pallas_src>

<mosaic_0001>
#map = affine_map<(d0, d1) -> (0, 0)>
#map1 = affine_map<(d0, d1) -> (0)>
module attributes {stable_mosaic.version = 14 : i64} {
  func.func @_topk_body(%arg0: i32, %arg1: i32, %arg2: memref<64x32768xf32, #tpu.memory_space<hbm>>, %arg3: memref<262144xi32, #tpu.memory_space<hbm>>, %arg4: memref<262144xf32, #tpu.memory_space<hbm>>, %arg5: memref<64x1024xf32, #tpu.memory_space<vmem>>, %arg6: memref<8208xi32, #tpu.memory_space<vmem>>, %arg7: memref<8208xf32, #tpu.memory_space<vmem>>) attributes {dimension_semantics = [#tpu.dimension_semantics<core_parallel>, #tpu.dimension_semantics<subcore_parallel>], iteration_bounds = array<i64: 2, 16>, scalar_prefetch = 0 : i64, scratch_operands = 3 : i64, tpu.core_type = #tpu.core_type<sc_vector_subcore>, window_params = [{transform_indices = #map}, {transform_indices = #map1}, {transform_indices = #map1}]} {
    %mul3A = arith.constant 2 : i32
    %mul3A_0 = arith.muli %arg1, %mul3A : i32
    %add3A = arith.addi %mul3A_0, %arg0 : i32
    %mul3A_1 = arith.constant 1024 : i32
    %mul3A_2 = arith.muli %add3A, %mul3A_1 : i32
    "tpu.region"() ({
      %run_scoped3A = tpu.sem_alloc : memref<!tpu.dma_semaphore, #tpu.memory_space<semaphore_mem>>
      %dma_start3A = arith.constant 0 : i32
      %dma_start3A_26 = tpu.memref_slice %arg2[%dma_start3A, %mul3A_2] : memref<64x32768xf32, #tpu.memory_space<hbm>> -> memref<64x1024xf32, #tpu.memory_space<hbm>>
      %dma_start3A_27 = arith.constant 0 : i32
      %dma_start3A_28 = tpu.memref_slice %arg2[%dma_start3A_27, %mul3A_2] : memref<64x32768xf32, #tpu.memory_space<hbm>> -> memref<64x1024xf32, #tpu.memory_space<hbm>>
      tpu.enqueue_dma source(%dma_start3A_28 : memref<64x1024xf32, #tpu.memory_space<hbm>>) target(%arg5 : memref<64x1024xf32, #tpu.memory_space<vmem>>) target_semaphore(%run_scoped3A : memref<!tpu.dma_semaphore, #tpu.memory_space<semaphore_mem>>)
      %dma_wait3A = arith.constant 0 : i32
      %dma_wait3A_29 = tpu.memref_slice %arg2[%dma_wait3A, %mul3A_2] : memref<64x32768xf32, #tpu.memory_space<hbm>> -> memref<64x1024xf32, #tpu.memory_space<hbm>>
      %dma_wait3A_30 = arith.constant 0 : i32
      %dma_wait3A_31 = tpu.memref_slice %arg2[%dma_wait3A_30, %mul3A_2] : memref<64x32768xf32, #tpu.memory_space<hbm>> -> memref<64x1024xf32, #tpu.memory_space<hbm>>
      tpu.wait_dma2 semaphore(%run_scoped3A : memref<!tpu.dma_semaphore, #tpu.memory_space<semaphore_mem>>) src(%dma_wait3A_31 : memref<64x1024xf32, #tpu.memory_space<hbm>>) dst(%arg5 : memref<64x1024xf32, #tpu.memory_space<vmem>>)
      tpu.yield
    }) : () -> ()
    %iota3A = tpu.iota {dimensions = array<i32: 0>} : vector<16xi32>
    %lt3A = arith.constant 8 : i32
    %lt3A_3 = vector.broadcast %lt3A : i32 to vector<16xi32>
    %lt3A_4 = arith.cmpi slt, %iota3A, %lt3A_3 : vector<16xi32>
    %add3A_5 = arith.constant 0 : i32
    %add3A_6 = vector.broadcast %add3A_5 : i32 to vector<16xi32>
    %add3A_7 = arith.addi %iota3A, %add3A_6 : vector<16xi32>
    %add3A_8 = arith.constant 16 : i32
    %add3A_9 = vector.broadcast %add3A_8 : i32 to vector<16xi32>
    %add3A_10 = arith.addi %iota3A, %add3A_9 : vector<16xi32>
    %add3A_11 = arith.constant 32 : i32
    %add3A_12 = vector.broadcast %add3A_11 : i32 to vector<16xi32>
    %add3A_13 = arith.addi %iota3A, %add3A_12 : vector<16xi32>
    %add3A_14 = arith.constant 48 : i32
    %add3A_15 = vector.broadcast %add3A_14 : i32 to vector<16xi32>
    %add3A_16 = arith.addi %iota3A, %add3A_15 : vector<16xi32>
    %scan3A = arith.constant 0 : i32
    %scan3A_17 = arith.constant 0 : i32
    %scan3A_18 = arith.constant 128 : i32
    %scan3A_19 = arith.addi %scan3A_17, %scan3A_18 : i32
    %scan3A_20 = arith.constant 1 : i32
    scf.for %scan3A_26 = %scan3A_17 to %scan3A_19 step %scan3A_20  : i32 {
      %mul3A_27 = arith.constant 8 : i32
      %mul3A_28 = arith.muli %scan3A_26, %mul3A_27 : i32
      %add3A_29 = arith.constant 0 : i32
      %add3A_30 = arith.addi %mul3A_28, %add3A_29 : i32
      %broadcast_in_dim3A = vector.broadcast %add3A_30 : i32 to vector<16xi32>
      %gather3A = tpu.vector_load_idx %arg5[%add3A_7, %broadcast_in_dim3A] : memref<64x1024xf32, #tpu.memory_space<vmem>>[vector<16xi32>, vector<16xi32>], vector<16xf32>,
      %masked_sort3A = arith.constant dense<true> : vector<16xi1>
      %masked_sort3A_31, %masked_sort3A_32, %masked_sort3A_33 = tpu.sort %gather3A, %add3A_7 masked %masked_sort3A {descending = true} : (vector<16xf32>, vector<16xi32>, vector<16xi1>) -> (vector<16xi1>, vector<16xf32>, vector<16xi32>)
      %gather3A_34 = tpu.vector_load_idx %arg5[%add3A_10, %broadcast_in_dim3A] : memref<64x1024xf32, #tpu.memory_space<vmem>>[vector<16xi32>, vector<16xi32>], vector<16xf32>,
      %masked_sort3A_35 = arith.constant dense<true> : vector<16xi1>
      %masked_sort3A_36, %masked_sort3A_37, %masked_sort3A_38 = tpu.sort %gather3A_34, %add3A_10 masked %masked_sort3A_35 {descending = true} : (vector<16xf32>, vector<16xi32>, vector<16xi1>) -> (vector<16xi1>, vector<16xf32>, vector<16xi32>)
      %gather3A_39 = tpu.vector_load_idx %arg5[%add3A_13, %broadcast_in_dim3A] : memref<64x1024xf32, #tpu.memory_space<vmem>>[vector<16xi32>, vector<16xi32>], vector<16xf32>,
      %masked_sort3A_40 = arith.constant dense<true> : vector<16xi1>
      %masked_sort3A_41, %masked_sort3A_42, %masked_sort3A_43 = tpu.sort %gather3A_39, %add3A_13 masked %masked_sort3A_40 {descending = true} : (vector<16xf32>, vector<16xi32>, vector<16xi1>) -> (vector<16xi1>, vector<16xf32>, vector<16xi32>)
      %gather3A_44 = tpu.vector_load_idx %arg5[%add3A_16, %broadcast_in_dim3A] : memref<64x1024xf32, #tpu.memory_space<vmem>>[vector<16xi32>, vector<16xi32>], vector<16xf32>,
      %masked_sort3A_45 = arith.constant dense<true> : vector<16xi1>
      %masked_sort3A_46, %masked_sort3A_47, %masked_sort3A_48 = tpu.sort %gather3A_44, %add3A_16 masked %masked_sort3A_45 {descending = true} : (vector<16xf32>, vector<16xi32>, vector<16xi1>) -> (vector<16xi1>, vector<16xf32>, vector<16xi32>)
      %add3A_49 = arith.constant 1 : i32
      %add3A_50 = arith.addi %mul3A_28, %add3A_49 : i32
      %broadcast_in_dim3A_51 = vector.broadcast %add3A_50 : i32 to vector<16xi32>
      %gather3A_52 = tpu.vector_load_idx %arg5[%add3A_7, %broadcast_in_dim3A_51] : memref<64x1024xf32, #tpu.memory_space<vmem>>[vector<16xi32>, vector<16xi32>], vector<16xf32>,
      %masked_sort3A_53 = arith.constant dense<true> : vector<16xi1>
      %masked_sort3A_54, %masked_sort3A_55, %masked_sort3A_56 = tpu.sort %gather3A_52, %add3A_7 masked %masked_sort3A_53 {descending = true} : (vector<16xf32>, vector<16xi32>, vector<16xi1>) -> (vector<16xi1>, vector<16xf32>, vector<16xi32>)
      %gather3A_57 = tpu.vector_load_idx %arg5[%add3A_10, %broadcast_in_dim3A_51] : memref<64x1024xf32, #tpu.memory_space<vmem>>[vector<16xi32>, vector<16xi32>], vector<16xf32>,
      %masked_sort3A_58 = arith.constant dense<true> : vector<16xi1>
      %masked_sort3A_59, %masked_sort3A_60, %masked_sort3A_61 = tpu.sort %gather3A_57, %add3A_10 masked %masked_sort3A_58 {descending = true} : (vector<16xf32>, vector<16xi32>, vector<16xi1>) -> (vector<16xi1>, vector<16xf32>, vector<16xi32>)
      %gather3A_62 = tpu.vector_load_idx %arg5[%add3A_13, %broadcast_in_dim3A_51] : memref<64x1024xf32, #tpu.memory_space<vmem>>[vector<16xi32>, vector<16xi32>], vector<16xf32>,
      %masked_sort3A_63 = arith.constant dense<true> : vector<16xi1>
      %masked_sort3A_64, %masked_sort3A_65, %masked_sort3A_66 = tpu.sort %gather3A_62, %add3A_13 masked %masked_sort3A_63 {descending = true} : (vector<16xf32>, vector<16xi32>, vector<16xi1>) -> (vector<16xi1>, vector<16xf32>, vector<16xi32>)
      %gather3A_67 = tpu.vector_load_idx %arg5[%add3A_16, %broadcast_in_dim3A_51] : memref<64x1024xf32, #tpu.memory_space<vmem>>[vector<16xi32>, vector<16xi32>], vector<16xf32>,
      %masked_sort3A_68 = arith.constant dense<true> : vector<16xi1>
      %masked_sort3A_69, %masked_sort3A_70, %masked_sort3A_71 = tpu.sort %gather3A_67, %add3A_16 masked %masked_sort3A_68 {descending = true} : (vector<16xf32>, vector<16xi32>, vector<16xi1>) -> (vector<16xi1>, vector<16xf32>, vector<16xi32>)
      %add3A_72 = arith.constant 2 : i32
      %add3A_73 = arith.addi %mul3A_28, %add3A_72 : i32
      %broadcast_in_dim3A_74 = vector.broadcast %add3A_73 : i32 to vector<16xi32>
      %gather3A_75 = tpu.vector_load_idx %arg5[%add3A_7, %broadcast_in_dim3A_74] : memref<64x1024xf32, #tpu.memory_space<vmem>>[vector<16xi32>, vector<16xi32>], vector<16xf32>,
      %masked_sort3A_76 = arith.constant dense<true> : vector<16xi1>
      %masked_sort3A_77, %masked_sort3A_78, %masked_sort3A_79 = tpu.sort %gather3A_75, %add3A_7 masked %masked_sort3A_76 {descending = true} : (vector<16xf32>, vector<16xi32>, vector<16xi1>) -> (vector<16xi1>, vector<16xf32>, vector<16xi32>)
      %gather3A_80 = tpu.vector_load_idx %arg5[%add3A_10, %broadcast_in_dim3A_74] : memref<64x1024xf32, #tpu.memory_space<vmem>>[vector<16xi32>, vector<16xi32>], vector<16xf32>,
      %masked_sort3A_81 = arith.constant dense<true> : vector<16xi1>
      %masked_sort3A_82, %masked_sort3A_83, %masked_sort3A_84 = tpu.sort %gather3A_80, %add3A_10 masked %masked_sort3A_81 {descending = true} : (vector<16xf32>, vector<16xi32>, vector<16xi1>) -> (vector<16xi1>, vector<16xf32>, vector<16xi32>)
      %gather3A_85 = tpu.vector_load_idx %arg5[%add3A_13, %broadcast_in_dim3A_74] : memref<64x1024xf32, #tpu.memory_space<vmem>>[vector<16xi32>, vector<16xi32>], vector<16xf32>,
      %masked_sort3A_86 = arith.constant dense<true> : vector<16xi1>
      %masked_sort3A_87, %masked_sort3A_88, %masked_sort3A_89 = tpu.sort %gather3A_85, %add3A_13 masked %masked_sort3A_86 {descending = true} : (vector<16xf32>, vector<16xi32>, vector<16xi1>) -> (vector<16xi1>, vector<16xf32>, vector<16xi32>)
      %gather3A_90 = tpu.vector_load_idx %arg5[%add3A_16, %broadcast_in_dim3A_74] : memref<64x1024xf32, #tpu.memory_space<vmem>>[vector<16xi32>, vector<16xi32>], vector<16xf32>,
      %masked_sort3A_91 = arith.constant dense<true> : vector<16xi1>
      %masked_sort3A_92, %masked_sort3A_93, %masked_sort3A_94 = tpu.sort %gather3A_90, %add3A_16 masked %masked_sort3A_91 {descending = true} : (vector<16xf32>, vector<16xi32>, vector<16xi1>) -> (vector<16xi1>, vector<16xf32>, vector<16xi32>)
      %add3A_95 = arith.constant 3 : i32
      %add3A_96 = arith.addi %mul3A_28, %add3A_95 : i32
      %broadcast_in_dim3A_97 = vector.broadcast %add3A_96 : i32 to vector<16xi32>
      %gather3A_98 = tpu.vector_load_idx %arg5[%add3A_7, %broadcast_in_dim3A_97] : memref<64x1024xf32, #tpu.memory_space<vmem>>[vector<16xi32>, vector<16xi32>], vector<16xf32>,
      %masked_sort3A_99 = arith.constant dense<true> : vector<16xi1>
      %masked_sort3A_100, %masked_sort3A_101, %masked_sort3A_102 = tpu.sort %gather3A_98, %add3A_7 masked %masked_sort3A_99 {descending = true} : (vector<16xf32>, vector<16xi32>, vector<16xi1>) -> (vector<16xi1>, vector<16xf32>, vector<16xi32>)
      %gather3A_103 = tpu.vector_load_idx %arg5[%add3A_10, %broadcast_in_dim3A_97] : memref<64x1024xf32, #tpu.memory_space<vmem>>[vector<16xi32>, vector<16xi32>], vector<16xf32>,
      %masked_sort3A_104 = arith.constant dense<true> : vector<16xi1>
      %masked_sort3A_105, %masked_sort3A_106, %masked_sort3A_107 = tpu.sort %gather3A_103, %add3A_10 masked %masked_sort3A_104 {descending = true} : (vector<16xf32>, vector<16xi32>, vector<16xi1>) -> (vector<16xi1>, vector<16xf32>, vector<16xi32>)
      %gather3A_108 = tpu.vector_load_idx %arg5[%add3A_13, %broadcast_in_dim3A_97] : memref<64x1024xf32, #tpu.memory_space<vmem>>[vector<16xi32>, vector<16xi32>], vector<16xf32>,
      %masked_sort3A_109 = arith.constant dense<true> : vector<16xi1>
      %masked_sort3A_110, %masked_sort3A_111, %masked_sort3A_112 = tpu.sort %gather3A_108, %add3A_13 masked %masked_sort3A_109 {descending = true} : (vector<16xf32>, vector<16xi32>, vector<16xi1>) -> (vector<16xi1>, vector<16xf32>, vector<16xi32>)
      %gather3A_113 = tpu.vector_load_idx %arg5[%add3A_16, %broadcast_in_dim3A_97] : memref<64x1024xf32, #tpu.memory_space<vmem>>[vector<16xi32>, vector<16xi32>], vector<16xf32>,
      %masked_sort3A_114 = arith.constant dense<true> : vector<16xi1>
      %masked_sort3A_115, %masked_sort3A_116, %masked_sort3A_117 = tpu.sort %gather3A_113, %add3A_16 masked %masked_sort3A_114 {descending = true} : (vector<16xf32>, vector<16xi32>, vector<16xi1>) -> (vector<16xi1>, vector<16xf32>, vector<16xi32>)
      %add3A_118 = arith.constant 4 : i32
      %add3A_119 = arith.addi %mul3A_28, %add3A_118 : i32
      %broadcast_in_dim3A_120 = vector.broadcast %add3A_119 : i32 to vector<16xi32>
      %gather3A_121 = tpu.vector_load_idx %arg5[%add3A_7, %broadcast_in_dim3A_120] : memref<64x1024xf32, #tpu.memory_space<vmem>>[vector<16xi32>, vector<16xi32>], vector<16xf32>,
      %masked_sort3A_122 = arith.constant dense<true> : vector<16xi1>
      %masked_sort3A_123, %masked_sort3A_124, %masked_sort3A_125 = tpu.sort %gather3A_121, %add3A_7 masked %masked_sort3A_122 {descending = true} : (vector<16xf32>, vector<16xi32>, vector<16xi1>) -> (vector<16xi1>, vector<16xf32>, vector<16xi32>)
      %gather3A_126 = tpu.vector_load_idx %arg5[%add3A_10, %broadcast_in_dim3A_120] : memref<64x1024xf32, #tpu.memory_space<vmem>>[vector<16xi32>, vector<16xi32>], vector<16xf32>,
      %masked_sort3A_127 = arith.constant dense<true> : vector<16xi1>
      %masked_sort3A_128, %masked_sort3A_129, %masked_sort3A_130 = tpu.sort %gather3A_126, %add3A_10 masked %masked_sort3A_127 {descending = true} : (vector<16xf32>, vector<16xi32>, vector<16xi1>) -> (vector<16xi1>, vector<16xf32>, vector<16xi32>)
      %gather3A_131 = tpu.vector_load_idx %arg5[%add3A_13, %broadcast_in_dim3A_120] : memref<64x1024xf32, #tpu.memory_space<vmem>>[vector<16xi32>, vector<16xi32>], vector<16xf32>,
      %masked_sort3A_132 = arith.constant dense<true> : vector<16xi1>
      %masked_sort3A_133, %masked_sort3A_134, %masked_sort3A_135 = tpu.sort %gather3A_131, %add3A_13 masked %masked_sort3A_132 {descending = true} : (vector<16xf32>, vector<16xi32>, vector<16xi1>) -> (vector<16xi1>, vector<16xf32>, vector<16xi32>)
      %gather3A_136 = tpu.vector_load_idx %arg5[%add3A_16, %broadcast_in_dim3A_120] : memref<64x1024xf32, #tpu.memory_space<vmem>>[vector<16xi32>, vector<16xi32>], vector<16xf32>,
      %masked_sort3A_137 = arith.constant dense<true> : vector<16xi1>
      %masked_sort3A_138, %masked_sort3A_139, %masked_sort3A_140 = tpu.sort %gather3A_136, %add3A_16 masked %masked_sort3A_137 {descending = true} : (vector<16xf32>, vector<16xi32>, vector<16xi1>) -> (vector<16xi1>, vector<16xf32>, vector<16xi32>)
      %add3A_141 = arith.constant 5 : i32
      %add3A_142 = arith.addi %mul3A_28, %add3A_141 : i32
      %broadcast_in_dim3A_143 = vector.broadcast %add3A_142 : i32 to vector<16xi32>
      %gather3A_144 = tpu.vector_load_idx %arg5[%add3A_7, %broadcast_in_dim3A_143] : memref<64x1024xf32, #tpu.memory_space<vmem>>[vector<16xi32>, vector<16xi32>], vector<16xf32>,
      %masked_sort3A_145 = arith.constant dense<true> : vector<16xi1>
      %masked_sort3A_146, %masked_sort3A_147, %masked_sort3A_148 = tpu.sort %gather3A_144, %add3A_7 masked %masked_sort3A_145 {descending = true} : (vector<16xf32>, vector<16xi32>, vector<16xi1>) -> (vector<16xi1>, vector<16xf32>, vector<16xi32>)
      %gather3A_149 = tpu.vector_load_idx %arg5[%add3A_10, %broadcast_in_dim3A_143] : memref<64x1024xf32, #tpu.memory_space<vmem>>[vector<16xi32>, vector<16xi32>], vector<16xf32>,
      %masked_sort3A_150 = arith.constant dense<true> : vector<16xi1>
      %masked_sort3A_151, %masked_sort3A_152, %masked_sort3A_153 = tpu.sort %gather3A_149, %add3A_10 masked %masked_sort3A_150 {descending = true} : (vector<16xf32>, vector<16xi32>, vector<16xi1>) -> (vector<16xi1>, vector<16xf32>, vector<16xi32>)
      %gather3A_154 = tpu.vector_load_idx %arg5[%add3A_13, %broadcast_in_dim3A_143] : memref<64x1024xf32, #tpu.memory_space<vmem>>[vector<16xi32>, vector<16xi32>], vector<16xf32>,
      %masked_sort3A_155 = arith.constant dense<true> : vector<16xi1>
      %masked_sort3A_156, %masked_sort3A_157, %masked_sort3A_158 = tpu.sort %gather3A_154, %add3A_13 masked %masked_sort3A_155 {descending = true} : (vector<16xf32>, vector<16xi32>, vector<16xi1>) -> (vector<16xi1>, vector<16xf32>, vector<16xi32>)
      %gather3A_159 = tpu.vector_load_idx %arg5[%add3A_16, %broadcast_in_dim3A_143] : memref<64x1024xf32, #tpu.memory_space<vmem>>[vector<16xi32>, vector<16xi32>], vector<16xf32>,
      %masked_sort3A_160 = arith.constant dense<true> : vector<16xi1>
      %masked_sort3A_161, %masked_sort3A_162, %masked_sort3A_163 = tpu.sort %gather3A_159, %add3A_16 masked %masked_sort3A_160 {descending = true} : (vector<16xf32>, vector<16xi32>, vector<16xi1>) -> (vector<16xi1>, vector<16xf32>, vector<16xi32>)
      %add3A_164 = arith.constant 6 : i32
      %add3A_165 = arith.addi %mul3A_28, %add3A_164 : i32
      %broadcast_in_dim3A_166 = vector.broadcast %add3A_165 : i32 to vector<16xi32>
      %gather3A_167 = tpu.vector_load_idx %arg5[%add3A_7, %broadcast_in_dim3A_166] : memref<64x1024xf32, #tpu.memory_space<vmem>>[vector<16xi32>, vector<16xi32>], vector<16xf32>,
      %masked_sort3A_168 = arith.constant dense<true> : vector<16xi1>
      %masked_sort3A_169, %masked_sort3A_170, %masked_sort3A_171 = tpu.sort %gather3A_167, %add3A_7 masked %masked_sort3A_168 {descending = true} : (vector<16xf32>, vector<16xi32>, vector<16xi1>) -> (vector<16xi1>, vector<16xf32>, vector<16xi32>)
      %gather3A_172 = tpu.vector_load_idx %arg5[%add3A_10, %broadcast_in_dim3A_166] : memref<64x1024xf32, #tpu.memory_space<vmem>>[vector<16xi32>, vector<16xi32>], vector<16xf32>,
      %masked_sort3A_173 = arith.constant dense<true> : vector<16xi1>
      %masked_sort3A_174, %masked_sort3A_175, %masked_sort3A_176 = tpu.sort %gather3A_172, %add3A_10 masked %masked_sort3A_173 {descending = true} : (vector<16xf32>, vector<16xi32>, vector<16xi1>) -> (vector<16xi1>, vector<16xf32>, vector<16xi32>)
      %gather3A_177 = tpu.vector_load_idx %arg5[%add3A_13, %broadcast_in_dim3A_166] : memref<64x1024xf32, #tpu.memory_space<vmem>>[vector<16xi32>, vector<16xi32>], vector<16xf32>,
      %masked_sort3A_178 = arith.constant dense<true> : vector<16xi1>
      %masked_sort3A_179, %masked_sort3A_180, %masked_sort3A_181 = tpu.sort %gather3A_177, %add3A_13 masked %masked_sort3A_178 {descending = true} : (vector<16xf32>, vector<16xi32>, vector<16xi1>) -> (vector<16xi1>, vector<16xf32>, vector<16xi32>)
      %gather3A_182 = tpu.vector_load_idx %arg5[%add3A_16, %broadcast_in_dim3A_166] : memref<64x1024xf32, #tpu.memory_space<vmem>>[vector<16xi32>, vector<16xi32>], vector<16xf32>,
      %masked_sort3A_183 = arith.constant dense<true> : vector<16xi1>
      %masked_sort3A_184, %masked_sort3A_185, %masked_sort3A_186 = tpu.sort %gather3A_182, %add3A_16 masked %masked_sort3A_183 {descending = true} : (vector<16xf32>, vector<16xi32>, vector<16xi1>) -> (vector<16xi1>, vector<16xf32>, vector<16xi32>)
      %add3A_187 = arith.constant 7 : i32
      %add3A_188 = arith.addi %mul3A_28, %add3A_187 : i32
      %broadcast_in_dim3A_189 = vector.broadcast %add3A_188 : i32 to vector<16xi32>
      %gather3A_190 = tpu.vector_load_idx %arg5[%add3A_7, %broadcast_in_dim3A_189] : memref<64x1024xf32, #tpu.memory_space<vmem>>[vector<16xi32>, vector<16xi32>], vector<16xf32>,
      %masked_sort3A_191 = arith.constant dense<true> : vector<16xi1>
      %masked_sort3A_192, %masked_sort3A_193, %masked_sort3A_194 = tpu.sort %gather3A_190, %add3A_7 masked %masked_sort3A_191 {descending = true} : (vector<16xf32>, vector<16xi32>, vector<16xi1>) -> (vector<16xi1>, vector<16xf32>, vector<16xi32>)
      %gather3A_195 = tpu.vector_load_idx %arg5[%add3A_10, %broadcast_in_dim3A_189] : memref<64x1024xf32, #tpu.memory_space<vmem>>[vector<16xi32>, vector<16xi32>], vector<16xf32>,
      %masked_sort3A_196 = arith.constant dense<true> : vector<16xi1>
      %masked_sort3A_197, %masked_sort3A_198, %masked_sort3A_199 = tpu.sort %gather3A_195, %add3A_10 masked %masked_sort3A_196 {descending = true} : (vector<16xf32>, vector<16xi32>, vector<16xi1>) -> (vector<16xi1>, vector<16xf32>, vector<16xi32>)
      %gather3A_200 = tpu.vector_load_idx %arg5[%add3A_13, %broadcast_in_dim3A_189] : memref<64x1024xf32, #tpu.memory_space<vmem>>[vector<16xi32>, vector<16xi32>], vector<16xf32>,
      %masked_sort3A_201 = arith.constant dense<true> : vector<16xi1>
      %masked_sort3A_202, %masked_sort3A_203, %masked_sort3A_204 = tpu.sort %gather3A_200, %add3A_13 masked %masked_sort3A_201 {descending = true} : (vector<16xf32>, vector<16xi32>, vector<16xi1>) -> (vector<16xi1>, vector<16xf32>, vector<16xi32>)
      %gather3A_205 = tpu.vector_load_idx %arg5[%add3A_16, %broadcast_in_dim3A_189] : memref<64x1024xf32, #tpu.memory_space<vmem>>[vector<16xi32>, vector<16xi32>], vector<16xf32>,
      %masked_sort3A_206 = arith.constant dense<true> : vector<16xi1>
      %masked_sort3A_207, %masked_sort3A_208, %masked_sort3A_209 = tpu.sort %gather3A_205, %add3A_16 masked %masked_sort3A_206 {descending = true} : (vector<16xf32>, vector<16xi32>, vector<16xi1>) -> (vector<16xi1>, vector<16xf32>, vector<16xi32>)
      %rev3A = arith.constant 15 : i32
      %rev3A_210 = vector.broadcast %rev3A : i32 to vector<16xi32>
      %rev3A_211 = tpu.iota {dimensions = array<i32: 0>} : vector<16xi32>
      %rev3A_212 = arith.subi %rev3A_210, %rev3A_211 : vector<16xi32>
      %rev3A_213 = tpu.dynamic_gather %masked_sort3A_37[%rev3A_212] in [0] : vector<16xf32>, vector<16xi32> -> vector<16xf32>
      %rev3A_214 = arith.constant 15 : i32
      %rev3A_215 = vector.broadcast %rev3A_214 : i32 to vector<16xi32>
      %rev3A_216 = tpu.iota {dimensions = array<i32: 0>} : vector<16xi32>
      %rev3A_217 = arith.subi %rev3A_215, %rev3A_216 : vector<16xi32>
      %rev3A_218 = tpu.dynamic_gather %masked_sort3A_38[%rev3A_217] in [0] : vector<16xi32>, vector<16xi32> -> vector<16xi32>
      %select_n3A = arith.select %lt3A_4, %masked_sort3A_32, %rev3A_213 : vector<16xi1>, vector<16xf32>
      %select_n3A_219 = arith.select %lt3A_4, %masked_sort3A_33, %rev3A_218 : vector<16xi1>, vector<16xi32>
      %masked_sort3A_220 = arith.constant dense<true> : vector<16xi1>
      %masked_sort3A_221, %masked_sort3A_222, %masked_sort3A_223 = tpu.sort %select_n3A, %select_n3A_219 masked %masked_sort3A_220 {descending = true} : (vector<16xf32>, vector<16xi32>, vector<16xi1>) -> (vector<16xi1>, vector<16xf32>, vector<16xi32>)
      %rev3A_224 = arith.constant 15 : i32
      %rev3A_225 = vector.broadcast %rev3A_224 : i32 to vector<16xi32>
      %rev3A_226 = tpu.iota {dimensions = array<i32: 0>} : vector<16xi32>
      %rev3A_227 = arith.subi %rev3A_225, %rev3A_226 : vector<16xi32>
      %rev3A_228 = tpu.dynamic_gather %masked_sort3A_47[%rev3A_227] in [0] : vector<16xf32>, vector<16xi32> -> vector<16xf32>
      %rev3A_229 = arith.constant 15 : i32
      %rev3A_230 = vector.broadcast %rev3A_229 : i32 to vector<16xi32>
      %rev3A_231 = tpu.iota {dimensions = array<i32: 0>} : vector<16xi32>
      %rev3A_232 = arith.subi %rev3A_230, %rev3A_231 : vector<16xi32>
      %rev3A_233 = tpu.dynamic_gather %masked_sort3A_48[%rev3A_232] in [0] : vector<16xi32>, vector<16xi32> -> vector<16xi32>
      %select_n3A_234 = arith.select %lt3A_4, %masked_sort3A_42, %rev3A_228 : vector<16xi1>, vector<16xf32>
      %select_n3A_235 = arith.select %lt3A_4, %masked_sort3A_43, %rev3A_233 : vector<16xi1>, vector<16xi32>
      %masked_sort3A_236 = arith.constant dense<true> : vector<16xi1>
      %masked_sort3A_237, %masked_sort3A_238, %masked_sort3A_239 = tpu.sort %select_n3A_234, %select_n3A_235 masked %masked_sort3A_236 {descending = true} : (vector<16xf32>, vector<16xi32>, vector<16xi1>) -> (vector<16xi1>, vector<16xf32>, vector<16xi32>)
      %rev3A_240 = arith.constant 15 : i32
      %rev3A_241 = vector.broadcast %rev3A_240 : i32 to vector<16xi32>
      %rev3A_242 = tpu.iota {dimensions = array<i32: 0>} : vector<16xi32>
      %rev3A_243 = arith.subi %rev3A_241, %rev3A_242 : vector<16xi32>
      %rev3A_244 = tpu.dynamic_gather %masked_sort3A_60[%rev3A_243] in [0] : vector<16xf32>, vector<16xi32> -> vector<16xf32>
      %rev3A_245 = arith.constant 15 : i32
      %rev3A_246 = vector.broadcast %rev3A_245 : i32 to vector<16xi32>
      %rev3A_247 = tpu.iota {dimensions = array<i32: 0>} : vector<16xi32>
      %rev3A_248 = arith.subi %rev3A_246, %rev3A_247 : vector<16xi32>
      %rev3A_249 = tpu.dynamic_gather %masked_sort3A_61[%rev3A_248] in [0] : vector<16xi32>, vector<16xi32> -> vector<16xi32>
      %select_n3A_250 = arith.select %lt3A_4, %masked_sort3A_55, %rev3A_244 : vector<16xi1>, vector<16xf32>
      %select_n3A_251 = arith.select %lt3A_4, %masked_sort3A_56, %rev3A_249 : vector<16xi1>, vector<16xi32>
      %masked_sort3A_252 = arith.constant dense<true> : vector<16xi1>
      %masked_sort3A_253, %masked_sort3A_254, %masked_sort3A_255 = tpu.sort %select_n3A_250, %select_n3A_251 masked %masked_sort3A_252 {descending = true} : (vector<16xf32>, vector<16xi32>, vector<16xi1>) -> (vector<16xi1>, vector<16xf32>, vector<16xi32>)
      %rev3A_256 = arith.constant 15 : i32
      %rev3A_257 = vector.broadcast %rev3A_256 : i32 to vector<16xi32>
      %rev3A_258 = tpu.iota {dimensions = array<i32: 0>} : vector<16xi32>
      %rev3A_259 = arith.subi %rev3A_257, %rev3A_258 : vector<16xi32>
      %rev3A_260 = tpu.dynamic_gather %masked_sort3A_70[%rev3A_259] in [0] : vector<16xf32>, vector<16xi32> -> vector<16xf32>
      %rev3A_261 = arith.constant 15 : i32
      %rev3A_262 = vector.broadcast %rev3A_261 : i32 to vector<16xi32>
      %rev3A_263 = tpu.iota {dimensions = array<i32: 0>} : vector<16xi32>
      %rev3A_264 = arith.subi %rev3A_262, %rev3A_263 : vector<16xi32>
      %rev3A_265 = tpu.dynamic_gather %masked_sort3A_71[%rev3A_264] in [0] : vector<16xi32>, vector<16xi32> -> vector<16xi32>
      %select_n3A_266 = arith.select %lt3A_4, %masked_sort3A_65, %rev3A_260 : vector<16xi1>, vector<16xf32>
      %select_n3A_267 = arith.select %lt3A_4, %masked_sort3A_66, %rev3A_265 : vector<16xi1>, vector<16xi32>
      %masked_sort3A_268 = arith.constant dense<true> : vector<16xi1>
      %masked_sort3A_269, %masked_sort3A_270, %masked_sort3A_271 = tpu.sort %select_n3A_266, %select_n3A_267 masked %masked_sort3A_268 {descending = true} : (vector<16xf32>, vector<16xi32>, vector<16xi1>) -> (vector<16xi1>, vector<16xf32>, vector<16xi32>)
      %rev3A_272 = arith.constant 15 : i32
      %rev3A_273 = vector.broadcast %rev3A_272 : i32 to vector<16xi32>
      %rev3A_274 = tpu.iota {dimensions = array<i32: 0>} : vector<16xi32>
      %rev3A_275 = arith.subi %rev3A_273, %rev3A_274 : vector<16xi32>
      %rev3A_276 = tpu.dynamic_gather %masked_sort3A_83[%rev3A_275] in [0] : vector<16xf32>, vector<16xi32> -> vector<16xf32>
      %rev3A_277 = arith.constant 15 : i32
      %rev3A_278 = vector.broadcast %rev3A_277 : i32 to vector<16xi32>
      %rev3A_279 = tpu.iota {dimensions = array<i32: 0>} : vector<16xi32>
      %rev3A_280 = arith.subi %rev3A_278, %rev3A_279 : vector<16xi32>
      %rev3A_281 = tpu.dynamic_gather %masked_sort3A_84[%rev3A_280] in [0] : vector<16xi32>, vector<16xi32> -> vector<16xi32>
      %select_n3A_282 = arith.select %lt3A_4, %masked_sort3A_78, %rev3A_276 : vector<16xi1>, vector<16xf32>
      %select_n3A_283 = arith.select %lt3A_4, %masked_sort3A_79, %rev3A_281 : vector<16xi1>, vector<16xi32>
      %masked_sort3A_284 = arith.constant dense<true> : vector<16xi1>
      %masked_sort3A_285, %masked_sort3A_286, %masked_sort3A_287 = tpu.sort %select_n3A_282, %select_n3A_283 masked %masked_sort3A_284 {descending = true} : (vector<16xf32>, vector<16xi32>, vector<16xi1>) -> (vector<16xi1>, vector<16xf32>, vector<16xi32>)
      %rev3A_288 = arith.constant 15 : i32
      %rev3A_289 = vector.broadcast %rev3A_288 : i32 to vector<16xi32>
      %rev3A_290 = tpu.iota {dimensions = array<i32: 0>} : vector<16xi32>
      %rev3A_291 = arith.subi %rev3A_289, %rev3A_290 : vector<16xi32>
      %rev3A_292 = tpu.dynamic_gather %masked_sort3A_93[%rev3A_291] in [0] : vector<16xf32>, vector<16xi32> -> vector<16xf32>
      %rev3A_293 = arith.constant 15 : i32
      %rev3A_294 = vector.broadcast %rev3A_293 : i32 to vector<16xi32>
      %rev3A_295 = tpu.iota {dimensions = array<i32: 0>} : vector<16xi32>
      %rev3A_296 = arith.subi %rev3A_294, %rev3A_295 : vector<16xi32>
      %rev3A_297 = tpu.dynamic_gather %masked_sort3A_94[%rev3A_296] in [0] : vector<16xi32>, vector<16xi32> -> vector<16xi32>
      %select_n3A_298 = arith.select %lt3A_4, %masked_sort3A_88, %rev3A_292 : vector<16xi1>, vector<16xf32>
      %select_n3A_299 = arith.select %lt3A_4, %masked_sort3A_89, %rev3A_297 : vector<16xi1>, vector<16xi32>
      %masked_sort3A_300 = arith.constant dense<true> : vector<16xi1>
      %masked_sort3A_301, %masked_sort3A_302, %masked_sort3A_303 = tpu.sort %select_n3A_298, %select_n3A_299 masked %masked_sort3A_300 {descending = true} : (vector<16xf32>, vector<16xi32>, vector<16xi1>) -> (vector<16xi1>, vector<16xf32>, vector<16xi32>)
      %rev3A_304 = arith.constant 15 : i32
      %rev3A_305 = vector.broadcast %rev3A_304 : i32 to vector<16xi32>
      %rev3A_306 = tpu.iota {dimensions = array<i32: 0>} : vector<16xi32>
      %rev3A_307 = arith.subi %rev3A_305, %rev3A_306 : vector<16xi32>
      %rev3A_308 = tpu.dynamic_gather %masked_sort3A_106[%rev3A_307] in [0] : vector<16xf32>, vector<16xi32> -> vector<16xf32>
      %rev3A_309 = arith.constant 15 : i32
      %rev3A_310 = vector.broadcast %rev3A_309 : i32 to vector<16xi32>
      %rev3A_311 = tpu.iota {dimensions = array<i32: 0>} : vector<16xi32>
      %rev3A_312 = arith.subi %rev3A_310, %rev3A_311 : vector<16xi32>
      %rev3A_313 = tpu.dynamic_gather %masked_sort3A_107[%rev3A_312] in [0] : vector<16xi32>, vector<16xi32> -> vector<16xi32>
      %select_n3A_314 = arith.select %lt3A_4, %masked_sort3A_101, %rev3A_308 : vector<16xi1>, vector<16xf32>
      %select_n3A_315 = arith.select %lt3A_4, %masked_sort3A_102, %rev3A_313 : vector<16xi1>, vector<16xi32>
      %masked_sort3A_316 = arith.constant dense<true> : vector<16xi1>
      %masked_sort3A_317, %masked_sort3A_318, %masked_sort3A_319 = tpu.sort %select_n3A_314, %select_n3A_315 masked %masked_sort3A_316 {descending = true} : (vector<16xf32>, vector<16xi32>, vector<16xi1>) -> (vector<16xi1>, vector<16xf32>, vector<16xi32>)
      %rev3A_320 = arith.constant 15 : i32
      %rev3A_321 = vector.broadcast %rev3A_320 : i32 to vector<16xi32>
      %rev3A_322 = tpu.iota {dimensions = array<i32: 0>} : vector<16xi32>
      %rev3A_323 = arith.subi %rev3A_321, %rev3A_322 : vector<16xi32>
      %rev3A_324 = tpu.dynamic_gather %masked_sort3A_116[%rev3A_323] in [0] : vector<16xf32>, vector<16xi32> -> vector<16xf32>
      %rev3A_325 = arith.constant 15 : i32
      %rev3A_326 = vector.broadcast %rev3A_325 : i32 to vector<16xi32>
      %rev3A_327 = tpu.iota {dimensions = array<i32: 0>} : vector<16xi32>
      %rev3A_328 = arith.subi %rev3A_326, %rev3A_327 : vector<16xi32>
      %rev3A_329 = tpu.dynamic_gather %masked_sort3A_117[%rev3A_328] in [0] : vector<16xi32>, vector<16xi32> -> vector<16xi32>
      %select_n3A_330 = arith.select %lt3A_4, %masked_sort3A_111, %rev3A_324 : vector<16xi1>, vector<16xf32>
      %select_n3A_331 = arith.select %lt3A_4, %masked_sort3A_112, %rev3A_329 : vector<16xi1>, vector<16xi32>
      %masked_sort3A_332 = arith.constant dense<true> : vector<16xi1>
      %masked_sort3A_333, %masked_sort3A_334, %masked_sort3A_335 = tpu.sort %select_n3A_330, %select_n3A_331 masked %masked_sort3A_332 {descending = true} : (vector<16xf32>, vector<16xi32>, vector<16xi1>) -> (vector<16xi1>, vector<16xf32>, vector<16xi32>)
      %rev3A_336 = arith.constant 15 : i32
      %rev3A_337 = vector.broadcast %rev3A_336 : i32 to vector<16xi32>
      %rev3A_338 = tpu.iota {dimensions = array<i32: 0>} : vector<16xi32>
      %rev3A_339 = arith.subi %rev3A_337, %rev3A_338 : vector<16xi32>
      %rev3A_340 = tpu.dynamic_gather %masked_sort3A_129[%rev3A_339] in [0] : vector<16xf32>, vector<16xi32> -> vector<16xf32>
      %rev3A_341 = arith.constant 15 : i32
      %rev3A_342 = vector.broadcast %rev3A_341 : i32 to vector<16xi32>
      %rev3A_343 = tpu.iota {dimensions = array<i32: 0>} : vector<16xi32>
      %rev3A_344 = arith.subi %rev3A_342, %rev3A_343 : vector<16xi32>
      %rev3A_345 = tpu.dynamic_gather %masked_sort3A_130[%rev3A_344] in [0] : vector<16xi32>, vector<16xi32> -> vector<16xi32>
      %select_n3A_346 = arith.select %lt3A_4, %masked_sort3A_124, %rev3A_340 : vector<16xi1>, vector<16xf32>
      %select_n3A_347 = arith.select %lt3A_4, %masked_sort3A_125, %rev3A_345 : vector<16xi1>, vector<16xi32>
      %masked_sort3A_348 = arith.constant dense<true> : vector<16xi1>
      %masked_sort3A_349, %masked_sort3A_350, %masked_sort3A_351 = tpu.sort %select_n3A_346, %select_n3A_347 masked %masked_sort3A_348 {descending = true} : (vector<16xf32>, vector<16xi32>, vector<16xi1>) -> (vector<16xi1>, vector<16xf32>, vector<16xi32>)
      %rev3A_352 = arith.constant 15 : i32
      %rev3A_353 = vector.broadcast %rev3A_352 : i32 to vector<16xi32>
      %rev3A_354 = tpu.iota {dimensions = array<i32: 0>} : vector<16xi32>
      %rev3A_355 = arith.subi %rev3A_353, %rev3A_354 : vector<16xi32>
      %rev3A_356 = tpu.dynamic_gather %masked_sort3A_139[%rev3A_355] in [0] : vector<16xf32>, vector<16xi32> -> vector<16xf32>
      %rev3A_357 = arith.constant 15 : i32
      %rev3A_358 = vector.broadcast %rev3A_357 : i32 to vector<16xi32>
      %rev3A_359 = tpu.iota {dimensions = array<i32: 0>} : vector<16xi32>
      %rev3A_360 = arith.subi %rev3A_358, %rev3A_359 : vector<16xi32>
      %rev3A_361 = tpu.dynamic_gather %masked_sort3A_140[%rev3A_360] in [0] : vector<16xi32>, vector<16xi32> -> vector<16xi32>
      %select_n3A_362 = arith.select %lt3A_4, %masked_sort3A_134, %rev3A_356 : vector<16xi1>, vector<16xf32>
      %select_n3A_363 = arith.select %lt3A_4, %masked_sort3A_135, %rev3A_361 : vector<16xi1>, vector<16xi32>
      %masked_sort3A_364 = arith.constant dense<true> : vector<16xi1>
      %masked_sort3A_365, %masked_sort3A_366, %masked_sort3A_367 = tpu.sort %select_n3A_362, %select_n3A_363 masked %masked_sort3A_364 {descending = true} : (vector<16xf32>, vector<16xi32>, vector<16xi1>) -> (vector<16xi1>, vector<16xf32>, vector<16xi32>)
      %rev3A_368 = arith.constant 15 : i32
      %rev3A_369 = vector.broadcast %rev3A_368 : i32 to vector<16xi32>
      %rev3A_370 = tpu.iota {dimensions = array<i32: 0>} : vector<16xi32>
      %rev3A_371 = arith.subi %rev3A_369, %rev3A_370 : vector<16xi32>
      %rev3A_372 = tpu.dynamic_gather %masked_sort3A_152[%rev3A_371] in [0] : vector<16xf32>, vector<16xi32> -> vector<16xf32>
      %rev3A_373 = arith.constant 15 : i32
      %rev3A_374 = vector.broadcast %rev3A_373 : i32 to vector<16xi32>
      %rev3A_375 = tpu.iota {dimensions = array<i32: 0>} : vector<16xi32>
      %rev3A_376 = arith.subi %rev3A_374, %rev3A_375 : vector<16xi32>
      %rev3A_377 = tpu.dynamic_gather %masked_sort3A_153[%rev3A_376] in [0] : vector<16xi32>, vector<16xi32> -> vector<16xi32>
      %select_n3A_378 = arith.select %lt3A_4, %masked_sort3A_147, %rev3A_372 : vector<16xi1>, vector<16xf32>
      %select_n3A_379 = arith.select %lt3A_4, %masked_sort3A_148, %rev3A_377 : vector<16xi1>, vector<16xi32>
      %masked_sort3A_380 = arith.constant dense<true> : vector<16xi1>
      %masked_sort3A_381, %masked_sort3A_382, %masked_sort3A_383 = tpu.sort %select_n3A_378, %select_n3A_379 masked %masked_sort3A_380 {descending = true} : (vector<16xf32>, vector<16xi32>, vector<16xi1>) -> (vector<16xi1>, vector<16xf32>, vector<16xi32>)
      %rev3A_384 = arith.constant 15 : i32
      %rev3A_385 = vector.broadcast %rev3A_384 : i32 to vector<16xi32>
      %rev3A_386 = tpu.iota {dimensions = array<i32: 0>} : vector<16xi32>
      %rev3A_387 = arith.subi %rev3A_385, %rev3A_386 : vector<16xi32>
      %rev3A_388 = tpu.dynamic_gather %masked_sort3A_162[%rev3A_387] in [0] : vector<16xf32>, vector<16xi32> -> vector<16xf32>
      %rev3A_389 = arith.constant 15 : i32
      %rev3A_390 = vector.broadcast %rev3A_389 : i32 to vector<16xi32>
      %rev3A_391 = tpu.iota {dimensions = array<i32: 0>} : vector<16xi32>
      %rev3A_392 = arith.subi %rev3A_390, %rev3A_391 : vector<16xi32>
      %rev3A_393 = tpu.dynamic_gather %masked_sort3A_163[%rev3A_392] in [0] : vector<16xi32>, vector<16xi32> -> vector<16xi32>
      %select_n3A_394 = arith.select %lt3A_4, %masked_sort3A_157, %rev3A_388 : vector<16xi1>, vector<16xf32>
      %select_n3A_395 = arith.select %lt3A_4, %masked_sort3A_158, %rev3A_393 : vector<16xi1>, vector<16xi32>
      %masked_sort3A_396 = arith.constant dense<true> : vector<16xi1>
      %masked_sort3A_397, %masked_sort3A_398, %masked_sort3A_399 = tpu.sort %select_n3A_394, %select_n3A_395 masked %masked_sort3A_396 {descending = true} : (vector<16xf32>, vector<16xi32>, vector<16xi1>) -> (vector<16xi1>, vector<16xf32>, vector<16xi32>)
      %rev3A_400 = arith.constant 15 : i32
      %rev3A_401 = vector.broadcast %rev3A_400 : i32 to vector<16xi32>
      %rev3A_402 = tpu.iota {dimensions = array<i32: 0>} : vector<16xi32>
      %rev3A_403 = arith.subi %rev3A_401, %rev3A_402 : vector<16xi32>
      %rev3A_404 = tpu.dynamic_gather %masked_sort3A_175[%rev3A_403] in [0] : vector<16xf32>, vector<16xi32> -> vector<16xf32>
      %rev3A_405 = arith.constant 15 : i32
      %rev3A_406 = vector.broadcast %rev3A_405 : i32 to vector<16xi32>
      %rev3A_407 = tpu.iota {dimensions = array<i32: 0>} : vector<16xi32>
      %rev3A_408 = arith.subi %rev3A_406, %rev3A_407 : vector<16xi32>
      %rev3A_409 = tpu.dynamic_gather %masked_sort3A_176[%rev3A_408] in [0] : vector<16xi32>, vector<16xi32> -> vector<16xi32>
      %select_n3A_410 = arith.select %lt3A_4, %masked_sort3A_170, %rev3A_404 : vector<16xi1>, vector<16xf32>
      %select_n3A_411 = arith.select %lt3A_4, %masked_sort3A_171, %rev3A_409 : vector<16xi1>, vector<16xi32>
      %masked_sort3A_412 = arith.constant dense<true> : vector<16xi1>
      %masked_sort3A_413, %masked_sort3A_414, %masked_sort3A_415 = tpu.sort %select_n3A_410, %select_n3A_411 masked %masked_sort3A_412 {descending = true} : (vector<16xf32>, vector<16xi32>, vector<16xi1>) -> (vector<16xi1>, vector<16xf32>, vector<16xi32>)
      %rev3A_416 = arith.constant 15 : i32
      %rev3A_417 = vector.broadcast %rev3A_416 : i32 to vector<16xi32>
      %rev3A_418 = tpu.iota {dimensions = array<i32: 0>} : vector<16xi32>
      %rev3A_419 = arith.subi %rev3A_417, %rev3A_418 : vector<16xi32>
      %rev3A_420 = tpu.dynamic_gather %masked_sort3A_185[%rev3A_419] in [0] : vector<16xf32>, vector<16xi32> -> vector<16xf32>
      %rev3A_421 = arith.constant 15 : i32
      %rev3A_422 = vector.broadcast %rev3A_421 : i32 to vector<16xi32>
      %rev3A_423 = tpu.iota {dimensions = array<i32: 0>} : vector<16xi32>
      %rev3A_424 = arith.subi %rev3A_422, %rev3A_423 : vector<16xi32>
      %rev3A_425 = tpu.dynamic_gather %masked_sort3A_186[%rev3A_424] in [0] : vector<16xi32>, vector<16xi32> -> vector<16xi32>
      %select_n3A_426 = arith.select %lt3A_4, %masked_sort3A_180, %rev3A_420 : vector<16xi1>, vector<16xf32>
      %select_n3A_427 = arith.select %lt3A_4, %masked_sort3A_181, %rev3A_425 : vector<16xi1>, vector<16xi32>
      %masked_sort3A_428 = arith.constant dense<true> : vector<16xi1>
      %masked_sort3A_429, %masked_sort3A_430, %masked_sort3A_431 = tpu.sort %select_n3A_426, %select_n3A_427 masked %masked_sort3A_428 {descending = true} : (vector<16xf32>, vector<16xi32>, vector<16xi1>) -> (vector<16xi1>, vector<16xf32>, vector<16xi32>)
      %rev3A_432 = arith.constant 15 : i32
      %rev3A_433 = vector.broadcast %rev3A_432 : i32 to vector<16xi32>
      %rev3A_434 = tpu.iota {dimensions = array<i32: 0>} : vector<16xi32>
      %rev3A_435 = arith.subi %rev3A_433, %rev3A_434 : vector<16xi32>
      %rev3A_436 = tpu.dynamic_gather %masked_sort3A_198[%rev3A_435] in [0] : vector<16xf32>, vector<16xi32> -> vector<16xf32>
      %rev3A_437 = arith.constant 15 : i32
      %rev3A_438 = vector.broadcast %rev3A_437 : i32 to vector<16xi32>
      %rev3A_439 = tpu.iota {dimensions = array<i32: 0>} : vector<16xi32>
      %rev3A_440 = arith.subi %rev3A_438, %rev3A_439 : vector<16xi32>
      %rev3A_441 = tpu.dynamic_gather %masked_sort3A_199[%rev3A_440] in [0] : vector<16xi32>, vector<16xi32> -> vector<16xi32>
      %select_n3A_442 = arith.select %lt3A_4, %masked_sort3A_193, %rev3A_436 : vector<16xi1>, vector<16xf32>
      %select_n3A_443 = arith.select %lt3A_4, %masked_sort3A_194, %rev3A_441 : vector<16xi1>, vector<16xi32>
      %masked_sort3A_444 = arith.constant dense<true> : vector<16xi1>
      %masked_sort3A_445, %masked_sort3A_446, %masked_sort3A_447 = tpu.sort %select_n3A_442, %select_n3A_443 masked %masked_sort3A_444 {descending = true} : (vector<16xf32>, vector<16xi32>, vector<16xi1>) -> (vector<16xi1>, vector<16xf32>, vector<16xi32>)
      %rev3A_448 = arith.constant 15 : i32
      %rev3A_449 = vector.broadcast %rev3A_448 : i32 to vector<16xi32>
      %rev3A_450 = tpu.iota {dimensions = array<i32: 0>} : vector<16xi32>
      %rev3A_451 = arith.subi %rev3A_449, %rev3A_450 : vector<16xi32>
      %rev3A_452 = tpu.dynamic_gather %masked_sort3A_208[%rev3A_451] in [0] : vector<16xf32>, vector<16xi32> -> vector<16xf32>
      %rev3A_453 = arith.constant 15 : i32
      %rev3A_454 = vector.broadcast %rev3A_453 : i32 to vector<16xi32>
      %rev3A_455 = tpu.iota {dimensions = array<i32: 0>} : vector<16xi32>
      %rev3A_456 = arith.subi %rev3A_454, %rev3A_455 : vector<16xi32>
      %rev3A_457 = tpu.dynamic_gather %masked_sort3A_209[%rev3A_456] in [0] : vector<16xi32>, vector<16xi32> -> vector<16xi32>
      %select_n3A_458 = arith.select %lt3A_4, %masked_sort3A_203, %rev3A_452 : vector<16xi1>, vector<16xf32>
      %select_n3A_459 = arith.select %lt3A_4, %masked_sort3A_204, %rev3A_457 : vector<16xi1>, vector<16xi32>
      %masked_sort3A_460 = arith.constant dense<true> : vector<16xi1>
      %masked_sort3A_461, %masked_sort3A_462, %masked_sort3A_463 = tpu.sort %select_n3A_458, %select_n3A_459 masked %masked_sort3A_460 {descending = true} : (vector<16xf32>, vector<16xi32>, vector<16xi1>) -> (vector<16xi1>, vector<16xf32>, vector<16xi32>)
      %rev3A_464 = arith.constant 15 : i32
      %rev3A_465 = vector.broadcast %rev3A_464 : i32 to vector<16xi32>
      %rev3A_466 = tpu.iota {dimensions = array<i32: 0>} : vector<16xi32>
      %rev3A_467 = arith.subi %rev3A_465, %rev3A_466 : vector<16xi32>
      %rev3A_468 = tpu.dynamic_gather %masked_sort3A_238[%rev3A_467] in [0] : vector<16xf32>, vector<16xi32> -> vector<16xf32>
      %rev3A_469 = arith.constant 15 : i32
      %rev3A_470 = vector.broadcast %rev3A_469 : i32 to vector<16xi32>
      %rev3A_471 = tpu.iota {dimensions = array<i32: 0>} : vector<16xi32>
      %rev3A_472 = arith.subi %rev3A_470, %rev3A_471 : vector<16xi32>
      %rev3A_473 = tpu.dynamic_gather %masked_sort3A_239[%rev3A_472] in [0] : vector<16xi32>, vector<16xi32> -> vector<16xi32>
      %select_n3A_474 = arith.select %lt3A_4, %masked_sort3A_222, %rev3A_468 : vector<16xi1>, vector<16xf32>
      %select_n3A_475 = arith.select %lt3A_4, %masked_sort3A_223, %rev3A_473 : vector<16xi1>, vector<16xi32>
      %masked_sort3A_476 = arith.constant dense<true> : vector<16xi1>
      %masked_sort3A_477, %masked_sort3A_478, %masked_sort3A_479 = tpu.sort %select_n3A_474, %select_n3A_475 masked %masked_sort3A_476 {descending = true} : (vector<16xf32>, vector<16xi32>, vector<16xi1>) -> (vector<16xi1>, vector<16xf32>, vector<16xi32>)
      %jit3A = arith.constant 0.000000e+00 : f32
      %broadcast_in_dim3A_480 = vector.broadcast %jit3A : f32 to vector<16xf32>
      %select_n3A_481 = arith.select %lt3A_4, %masked_sort3A_478, %broadcast_in_dim3A_480 : vector<16xi1>, vector<16xf32>
      %reduce_sum3A = arith.constant true
      %reduce_sum3A_482 = vector.broadcast %reduce_sum3A : i1 to vector<16xi1>
      %reduce_sum3A_483 = tpu.scan <sum>, %select_n3A_481 masked %reduce_sum3A_482 : vector<16xf32>, vector<16xi1> -> vector<16xf32>
      %reduce_sum3A_484 = vector.extract %reduce_sum3A_483[15] : f32 from vector<16xf32>
      %div3A = vector.broadcast %reduce_sum3A_484 : f32 to vector<16xf32>
      %div3A_485 = arith.divf %masked_sort3A_478, %div3A : vector<16xf32>
      %add3A_486 = arith.constant 0 : i32
      %add3A_487 = arith.addi %mul3A_28, %add3A_486 : i32
      %mul3A_488 = arith.constant 8 : i32
      %mul3A_489 = arith.muli %add3A_487, %mul3A_488 : i32
      %swap3A = arith.index_cast %mul3A_489 : i32 to index
      %swap3A_490 = tpu.vector_load %arg6[%swap3A] {strides = array<i32>} : memref<8208xi32, #tpu.memory_space<vmem>>, vector<16xi32>,
      tpu.vector_store %arg6[%swap3A], %masked_sort3A_479 {strides = array<i32>} : memref<8208xi32, #tpu.memory_space<vmem>>, vector<16xi32>,
      %swap3A_491 = arith.index_cast %mul3A_489 : i32 to index
      %swap3A_492 = tpu.vector_load %arg7[%swap3A_491] {strides = array<i32>} : memref<8208xf32, #tpu.memory_space<vmem>>, vector<16xf32>,
      tpu.vector_store %arg7[%swap3A_491], %div3A_485 {strides = array<i32>} : memref<8208xf32, #tpu.memory_space<vmem>>, vector<16xf32>,
      %rev3A_493 = arith.constant 15 : i32
      %rev3A_494 = vector.broadcast %rev3A_493 : i32 to vector<16xi32>
      %rev3A_495 = tpu.iota {dimensions = array<i32: 0>} : vector<16xi32>
      %rev3A_496 = arith.subi %rev3A_494, %rev3A_495 : vector<16xi32>
      %rev3A_497 = tpu.dynamic_gather %masked_sort3A_270[%rev3A_496] in [0] : vector<16xf32>, vector<16xi32> -> vector<16xf32>
      %rev3A_498 = arith.constant 15 : i32
      %rev3A_499 = vector.broadcast %rev3A_498 : i32 to vector<16xi32>
      %rev3A_500 = tpu.iota {dimensions = array<i32: 0>} : vector<16xi32>
      %rev3A_501 = arith.subi %rev3A_499, %rev3A_500 : vector<16xi32>
      %rev3A_502 = tpu.dynamic_gather %masked_sort3A_271[%rev3A_501] in [0] : vector<16xi32>, vector<16xi32> -> vector<16xi32>
      %select_n3A_503 = arith.select %lt3A_4, %masked_sort3A_254, %rev3A_497 : vector<16xi1>, vector<16xf32>
      %select_n3A_504 = arith.select %lt3A_4, %masked_sort3A_255, %rev3A_502 : vector<16xi1>, vector<16xi32>
      %masked_sort3A_505 = arith.constant dense<true> : vector<16xi1>
      %masked_sort3A_506, %masked_sort3A_507, %masked_sort3A_508 = tpu.sort %select_n3A_503, %select_n3A_504 masked %masked_sort3A_505 {descending = true} : (vector<16xf32>, vector<16xi32>, vector<16xi1>) -> (vector<16xi1>, vector<16xf32>, vector<16xi32>)
      %jit3A_509 = arith.constant 0.000000e+00 : f32
      %broadcast_in_dim3A_510 = vector.broadcast %jit3A_509 : f32 to vector<16xf32>
      %select_n3A_511 = arith.select %lt3A_4, %masked_sort3A_507, %broadcast_in_dim3A_510 : vector<16xi1>, vector<16xf32>
      %reduce_sum3A_512 = arith.constant true
      %reduce_sum3A_513 = vector.broadcast %reduce_sum3A_512 : i1 to vector<16xi1>
      %reduce_sum3A_514 = tpu.scan <sum>, %select_n3A_511 masked %reduce_sum3A_513 : vector<16xf32>, vector<16xi1> -> vector<16xf32>
      %reduce_sum3A_515 = vector.extract %reduce_sum3A_514[15] : f32 from vector<16xf32>
      %div3A_516 = vector.broadcast %reduce_sum3A_515 : f32 to vector<16xf32>
      %div3A_517 = arith.divf %masked_sort3A_507, %div3A_516 : vector<16xf32>
      %add3A_518 = arith.constant 1 : i32
      %add3A_519 = arith.addi %mul3A_28, %add3A_518 : i32
      %mul3A_520 = arith.constant 8 : i32
      %mul3A_521 = arith.muli %add3A_519, %mul3A_520 : i32
      %swap3A_522 = arith.index_cast %mul3A_521 : i32 to index
      %swap3A_523 = tpu.vector_load %arg6[%swap3A_522] {strides = array<i32>} : memref<8208xi32, #tpu.memory_space<vmem>>, vector<16xi32>,
      tpu.vector_store %arg6[%swap3A_522], %masked_sort3A_508 {strides = array<i32>} : memref<8208xi32, #tpu.memory_space<vmem>>, vector<16xi32>,
      %swap3A_524 = arith.index_cast %mul3A_521 : i32 to index
      %swap3A_525 = tpu.vector_load %arg7[%swap3A_524] {strides = array<i32>} : memref<8208xf32, #tpu.memory_space<vmem>>, vector<16xf32>,
      tpu.vector_store %arg7[%swap3A_524], %div3A_517 {strides = array<i32>} : memref<8208xf32, #tpu.memory_space<vmem>>, vector<16xf32>,
      %rev3A_526 = arith.constant 15 : i32
      %rev3A_527 = vector.broadcast %rev3A_526 : i32 to vector<16xi32>
      %rev3A_528 = tpu.iota {dimensions = array<i32: 0>} : vector<16xi32>
      %rev3A_529 = arith.subi %rev3A_527, %rev3A_528 : vector<16xi32>
      %rev3A_530 = tpu.dynamic_gather %masked_sort3A_302[%rev3A_529] in [0] : vector<16xf32>, vector<16xi32> -> vector<16xf32>
      %rev3A_531 = arith.constant 15 : i32
      %rev3A_532 = vector.broadcast %rev3A_531 : i32 to vector<16xi32>
      %rev3A_533 = tpu.iota {dimensions = array<i32: 0>} : vector<16xi32>
      %rev3A_534 = arith.subi %rev3A_532, %rev3A_533 : vector<16xi32>
      %rev3A_535 = tpu.dynamic_gather %masked_sort3A_303[%rev3A_534] in [0] : vector<16xi32>, vector<16xi32> -> vector<16xi32>
      %select_n3A_536 = arith.select %lt3A_4, %masked_sort3A_286, %rev3A_530 : vector<16xi1>, vector<16xf32>
      %select_n3A_537 = arith.select %lt3A_4, %masked_sort3A_287, %rev3A_535 : vector<16xi1>, vector<16xi32>
      %masked_sort3A_538 = arith.constant dense<true> : vector<16xi1>
      %masked_sort3A_539, %masked_sort3A_540, %masked_sort3A_541 = tpu.sort %select_n3A_536, %select_n3A_537 masked %masked_sort3A_538 {descending = true} : (vector<16xf32>, vector<16xi32>, vector<16xi1>) -> (vector<16xi1>, vector<16xf32>, vector<16xi32>)
      %jit3A_542 = arith.constant 0.000000e+00 : f32
      %broadcast_in_dim3A_543 = vector.broadcast %jit3A_542 : f32 to vector<16xf32>
      %select_n3A_544 = arith.select %lt3A_4, %masked_sort3A_540, %broadcast_in_dim3A_543 : vector<16xi1>, vector<16xf32>
      %reduce_sum3A_545 = arith.constant true
      %reduce_sum3A_546 = vector.broadcast %reduce_sum3A_545 : i1 to vector<16xi1>
      %reduce_sum3A_547 = tpu.scan <sum>, %select_n3A_544 masked %reduce_sum3A_546 : vector<16xf32>, vector<16xi1> -> vector<16xf32>
      %reduce_sum3A_548 = vector.extract %reduce_sum3A_547[15] : f32 from vector<16xf32>
      %div3A_549 = vector.broadcast %reduce_sum3A_548 : f32 to vector<16xf32>
      %div3A_550 = arith.divf %masked_sort3A_540, %div3A_549 : vector<16xf32>
      %add3A_551 = arith.constant 2 : i32
      %add3A_552 = arith.addi %mul3A_28, %add3A_551 : i32
      %mul3A_553 = arith.constant 8 : i32
      %mul3A_554 = arith.muli %add3A_552, %mul3A_553 : i32
      %swap3A_555 = arith.index_cast %mul3A_554 : i32 to index
      %swap3A_556 = tpu.vector_load %arg6[%swap3A_555] {strides = array<i32>} : memref<8208xi32, #tpu.memory_space<vmem>>, vector<16xi32>,
      tpu.vector_store %arg6[%swap3A_555], %masked_sort3A_541 {strides = array<i32>} : memref<8208xi32, #tpu.memory_space<vmem>>, vector<16xi32>,
      %swap3A_557 = arith.index_cast %mul3A_554 : i32 to index
      %swap3A_558 = tpu.vector_load %arg7[%swap3A_557] {strides = array<i32>} : memref<8208xf32, #tpu.memory_space<vmem>>, vector<16xf32>,
      tpu.vector_store %arg7[%swap3A_557], %div3A_550 {strides = array<i32>} : memref<8208xf32, #tpu.memory_space<vmem>>, vector<16xf32>,
      %rev3A_559 = arith.constant 15 : i32
      %rev3A_560 = vector.broadcast %rev3A_559 : i32 to vector<16xi32>
      %rev3A_561 = tpu.iota {dimensions = array<i32: 0>} : vector<16xi32>
      %rev3A_562 = arith.subi %rev3A_560, %rev3A_561 : vector<16xi32>
      %rev3A_563 = tpu.dynamic_gather %masked_sort3A_334[%rev3A_562] in [0] : vector<16xf32>, vector<16xi32> -> vector<16xf32>
      %rev3A_564 = arith.constant 15 : i32
      %rev3A_565 = vector.broadcast %rev3A_564 : i32 to vector<16xi32>
      %rev3A_566 = tpu.iota {dimensions = array<i32: 0>} : vector<16xi32>
      %rev3A_567 = arith.subi %rev3A_565, %rev3A_566 : vector<16xi32>
      %rev3A_568 = tpu.dynamic_gather %masked_sort3A_335[%rev3A_567] in [0] : vector<16xi32>, vector<16xi32> -> vector<16xi32>
      %select_n3A_569 = arith.select %lt3A_4, %masked_sort3A_318, %rev3A_563 : vector<16xi1>, vector<16xf32>
      %select_n3A_570 = arith.select %lt3A_4, %masked_sort3A_319, %rev3A_568 : vector<16xi1>, vector<16xi32>
      %masked_sort3A_571 = arith.constant dense<true> : vector<16xi1>
      %masked_sort3A_572, %masked_sort3A_573, %masked_sort3A_574 = tpu.sort %select_n3A_569, %select_n3A_570 masked %masked_sort3A_571 {descending = true} : (vector<16xf32>, vector<16xi32>, vector<16xi1>) -> (vector<16xi1>, vector<16xf32>, vector<16xi32>)
      %jit3A_575 = arith.constant 0.000000e+00 : f32
      %broadcast_in_dim3A_576 = vector.broadcast %jit3A_575 : f32 to vector<16xf32>
      %select_n3A_577 = arith.select %lt3A_4, %masked_sort3A_573, %broadcast_in_dim3A_576 : vector<16xi1>, vector<16xf32>
      %reduce_sum3A_578 = arith.constant true
      %reduce_sum3A_579 = vector.broadcast %reduce_sum3A_578 : i1 to vector<16xi1>
      %reduce_sum3A_580 = tpu.scan <sum>, %select_n3A_577 masked %reduce_sum3A_579 : vector<16xf32>, vector<16xi1> -> vector<16xf32>
      %reduce_sum3A_581 = vector.extract %reduce_sum3A_580[15] : f32 from vector<16xf32>
      %div3A_582 = vector.broadcast %reduce_sum3A_581 : f32 to vector<16xf32>
      %div3A_583 = arith.divf %masked_sort3A_573, %div3A_582 : vector<16xf32>
      %add3A_584 = arith.constant 3 : i32
      %add3A_585 = arith.addi %mul3A_28, %add3A_584 : i32
      %mul3A_586 = arith.constant 8 : i32
      %mul3A_587 = arith.muli %add3A_585, %mul3A_586 : i32
      %swap3A_588 = arith.index_cast %mul3A_587 : i32 to index
      %swap3A_589 = tpu.vector_load %arg6[%swap3A_588] {strides = array<i32>} : memref<8208xi32, #tpu.memory_space<vmem>>, vector<16xi32>,
      tpu.vector_store %arg6[%swap3A_588], %masked_sort3A_574 {strides = array<i32>} : memref<8208xi32, #tpu.memory_space<vmem>>, vector<16xi32>,
      %swap3A_590 = arith.index_cast %mul3A_587 : i32 to index
      %swap3A_591 = tpu.vector_load %arg7[%swap3A_590] {strides = array<i32>} : memref<8208xf32, #tpu.memory_space<vmem>>, vector<16xf32>,
      tpu.vector_store %arg7[%swap3A_590], %div3A_583 {strides = array<i32>} : memref<8208xf32, #tpu.memory_space<vmem>>, vector<16xf32>,
      %rev3A_592 = arith.constant 15 : i32
      %rev3A_593 = vector.broadcast %rev3A_592 : i32 to vector<16xi32>
      %rev3A_594 = tpu.iota {dimensions = array<i32: 0>} : vector<16xi32>
      %rev3A_595 = arith.subi %rev3A_593, %rev3A_594 : vector<16xi32>
      %rev3A_596 = tpu.dynamic_gather %masked_sort3A_366[%rev3A_595] in [0] : vector<16xf32>, vector<16xi32> -> vector<16xf32>
      %rev3A_597 = arith.constant 15 : i32
      %rev3A_598 = vector.broadcast %rev3A_597 : i32 to vector<16xi32>
      %rev3A_599 = tpu.iota {dimensions = array<i32: 0>} : vector<16xi32>
      %rev3A_600 = arith.subi %rev3A_598, %rev3A_599 : vector<16xi32>
      %rev3A_601 = tpu.dynamic_gather %masked_sort3A_367[%rev3A_600] in [0] : vector<16xi32>, vector<16xi32> -> vector<16xi32>
      %select_n3A_602 = arith.select %lt3A_4, %masked_sort3A_350, %rev3A_596 : vector<16xi1>, vector<16xf32>
      %select_n3A_603 = arith.select %lt3A_4, %masked_sort3A_351, %rev3A_601 : vector<16xi1>, vector<16xi32>
      %masked_sort3A_604 = arith.constant dense<true> : vector<16xi1>
      %masked_sort3A_605, %masked_sort3A_606, %masked_sort3A_607 = tpu.sort %select_n3A_602, %select_n3A_603 masked %masked_sort3A_604 {descending = true} : (vector<16xf32>, vector<16xi32>, vector<16xi1>) -> (vector<16xi1>, vector<16xf32>, vector<16xi32>)
      %jit3A_608 = arith.constant 0.000000e+00 : f32
      %broadcast_in_dim3A_609 = vector.broadcast %jit3A_608 : f32 to vector<16xf32>
      %select_n3A_610 = arith.select %lt3A_4, %masked_sort3A_606, %broadcast_in_dim3A_609 : vector<16xi1>, vector<16xf32>
      %reduce_sum3A_611 = arith.constant true
      %reduce_sum3A_612 = vector.broadcast %reduce_sum3A_611 : i1 to vector<16xi1>
      %reduce_sum3A_613 = tpu.scan <sum>, %select_n3A_610 masked %reduce_sum3A_612 : vector<16xf32>, vector<16xi1> -> vector<16xf32>
      %reduce_sum3A_614 = vector.extract %reduce_sum3A_613[15] : f32 from vector<16xf32>
      %div3A_615 = vector.broadcast %reduce_sum3A_614 : f32 to vector<16xf32>
      %div3A_616 = arith.divf %masked_sort3A_606, %div3A_615 : vector<16xf32>
      %add3A_617 = arith.constant 4 : i32
      %add3A_618 = arith.addi %mul3A_28, %add3A_617 : i32
      %mul3A_619 = arith.constant 8 : i32
      %mul3A_620 = arith.muli %add3A_618, %mul3A_619 : i32
      %swap3A_621 = arith.index_cast %mul3A_620 : i32 to index
      %swap3A_622 = tpu.vector_load %arg6[%swap3A_621] {strides = array<i32>} : memref<8208xi32, #tpu.memory_space<vmem>>, vector<16xi32>,
      tpu.vector_store %arg6[%swap3A_621], %masked_sort3A_607 {strides = array<i32>} : memref<8208xi32, #tpu.memory_space<vmem>>, vector<16xi32>,
      %swap3A_623 = arith.index_cast %mul3A_620 : i32 to index
      %swap3A_624 = tpu.vector_load %arg7[%swap3A_623] {strides = array<i32>} : memref<8208xf32, #tpu.memory_space<vmem>>, vector<16xf32>,
      tpu.vector_store %arg7[%swap3A_623], %div3A_616 {strides = array<i32>} : memref<8208xf32, #tpu.memory_space<vmem>>, vector<16xf32>,
      %rev3A_625 = arith.constant 15 : i32
      %rev3A_626 = vector.broadcast %rev3A_625 : i32 to vector<16xi32>
      %rev3A_627 = tpu.iota {dimensions = array<i32: 0>} : vector<16xi32>
      %rev3A_628 = arith.subi %rev3A_626, %rev3A_627 : vector<16xi32>
      %rev3A_629 = tpu.dynamic_gather %masked_sort3A_398[%rev3A_628] in [0] : vector<16xf32>, vector<16xi32> -> vector<16xf32>
      %rev3A_630 = arith.constant 15 : i32
      %rev3A_631 = vector.broadcast %rev3A_630 : i32 to vector<16xi32>
      %rev3A_632 = tpu.iota {dimensions = array<i32: 0>} : vector<16xi32>
      %rev3A_633 = arith.subi %rev3A_631, %rev3A_632 : vector<16xi32>
      %rev3A_634 = tpu.dynamic_gather %masked_sort3A_399[%rev3A_633] in [0] : vector<16xi32>, vector<16xi32> -> vector<16xi32>
      %select_n3A_635 = arith.select %lt3A_4, %masked_sort3A_382, %rev3A_629 : vector<16xi1>, vector<16xf32>
      %select_n3A_636 = arith.select %lt3A_4, %masked_sort3A_383, %rev3A_634 : vector<16xi1>, vector<16xi32>
      %masked_sort3A_637 = arith.constant dense<true> : vector<16xi1>
      %masked_sort3A_638, %masked_sort3A_639, %masked_sort3A_640 = tpu.sort %select_n3A_635, %select_n3A_636 masked %masked_sort3A_637 {descending = true} : (vector<16xf32>, vector<16xi32>, vector<16xi1>) -> (vector<16xi1>, vector<16xf32>, vector<16xi32>)
      %jit3A_641 = arith.constant 0.000000e+00 : f32
      %broadcast_in_dim3A_642 = vector.broadcast %jit3A_641 : f32 to vector<16xf32>
      %select_n3A_643 = arith.select %lt3A_4, %masked_sort3A_639, %broadcast_in_dim3A_642 : vector<16xi1>, vector<16xf32>
      %reduce_sum3A_644 = arith.constant true
      %reduce_sum3A_645 = vector.broadcast %reduce_sum3A_644 : i1 to vector<16xi1>
      %reduce_sum3A_646 = tpu.scan <sum>, %select_n3A_643 masked %reduce_sum3A_645 : vector<16xf32>, vector<16xi1> -> vector<16xf32>
      %reduce_sum3A_647 = vector.extract %reduce_sum3A_646[15] : f32 from vector<16xf32>
      %div3A_648 = vector.broadcast %reduce_sum3A_647 : f32 to vector<16xf32>
      %div3A_649 = arith.divf %masked_sort3A_639, %div3A_648 : vector<16xf32>
      %add3A_650 = arith.constant 5 : i32
      %add3A_651 = arith.addi %mul3A_28, %add3A_650 : i32
      %mul3A_652 = arith.constant 8 : i32
      %mul3A_653 = arith.muli %add3A_651, %mul3A_652 : i32
      %swap3A_654 = arith.index_cast %mul3A_653 : i32 to index
      %swap3A_655 = tpu.vector_load %arg6[%swap3A_654] {strides = array<i32>} : memref<8208xi32, #tpu.memory_space<vmem>>, vector<16xi32>,
      tpu.vector_store %arg6[%swap3A_654], %masked_sort3A_640 {strides = array<i32>} : memref<8208xi32, #tpu.memory_space<vmem>>, vector<16xi32>,
      %swap3A_656 = arith.index_cast %mul3A_653 : i32 to index
      %swap3A_657 = tpu.vector_load %arg7[%swap3A_656] {strides = array<i32>} : memref<8208xf32, #tpu.memory_space<vmem>>, vector<16xf32>,
      tpu.vector_store %arg7[%swap3A_656], %div3A_649 {strides = array<i32>} : memref<8208xf32, #tpu.memory_space<vmem>>, vector<16xf32>,
      %rev3A_658 = arith.constant 15 : i32
      %rev3A_659 = vector.broadcast %rev3A_658 : i32 to vector<16xi32>
      %rev3A_660 = tpu.iota {dimensions = array<i32: 0>} : vector<16xi32>
      %rev3A_661 = arith.subi %rev3A_659, %rev3A_660 : vector<16xi32>
      %rev3A_662 = tpu.dynamic_gather %masked_sort3A_430[%rev3A_661] in [0] : vector<16xf32>, vector<16xi32> -> vector<16xf32>
      %rev3A_663 = arith.constant 15 : i32
      %rev3A_664 = vector.broadcast %rev3A_663 : i32 to vector<16xi32>
      %rev3A_665 = tpu.iota {dimensions = array<i32: 0>} : vector<16xi32>
      %rev3A_666 = arith.subi %rev3A_664, %rev3A_665 : vector<16xi32>
      %rev3A_667 = tpu.dynamic_gather %masked_sort3A_431[%rev3A_666] in [0] : vector<16xi32>, vector<16xi32> -> vector<16xi32>
      %select_n3A_668 = arith.select %lt3A_4, %masked_sort3A_414, %rev3A_662 : vector<16xi1>, vector<16xf32>
      %select_n3A_669 = arith.select %lt3A_4, %masked_sort3A_415, %rev3A_667 : vector<16xi1>, vector<16xi32>
      %masked_sort3A_670 = arith.constant dense<true> : vector<16xi1>
      %masked_sort3A_671, %masked_sort3A_672, %masked_sort3A_673 = tpu.sort %select_n3A_668, %select_n3A_669 masked %masked_sort3A_670 {descending = true} : (vector<16xf32>, vector<16xi32>, vector<16xi1>) -> (vector<16xi1>, vector<16xf32>, vector<16xi32>)
      %jit3A_674 = arith.constant 0.000000e+00 : f32
      %broadcast_in_dim3A_675 = vector.broadcast %jit3A_674 : f32 to vector<16xf32>
      %select_n3A_676 = arith.select %lt3A_4, %masked_sort3A_672, %broadcast_in_dim3A_675 : vector<16xi1>, vector<16xf32>
      %reduce_sum3A_677 = arith.constant true
      %reduce_sum3A_678 = vector.broadcast %reduce_sum3A_677 : i1 to vector<16xi1>
      %reduce_sum3A_679 = tpu.scan <sum>, %select_n3A_676 masked %reduce_sum3A_678 : vector<16xf32>, vector<16xi1> -> vector<16xf32>
      %reduce_sum3A_680 = vector.extract %reduce_sum3A_679[15] : f32 from vector<16xf32>
      %div3A_681 = vector.broadcast %reduce_sum3A_680 : f32 to vector<16xf32>
      %div3A_682 = arith.divf %masked_sort3A_672, %div3A_681 : vector<16xf32>
      %add3A_683 = arith.constant 6 : i32
      %add3A_684 = arith.addi %mul3A_28, %add3A_683 : i32
      %mul3A_685 = arith.constant 8 : i32
      %mul3A_686 = arith.muli %add3A_684, %mul3A_685 : i32
      %swap3A_687 = arith.index_cast %mul3A_686 : i32 to index
      %swap3A_688 = tpu.vector_load %arg6[%swap3A_687] {strides = array<i32>} : memref<8208xi32, #tpu.memory_space<vmem>>, vector<16xi32>,
      tpu.vector_store %arg6[%swap3A_687], %masked_sort3A_673 {strides = array<i32>} : memref<8208xi32, #tpu.memory_space<vmem>>, vector<16xi32>,
      %swap3A_689 = arith.index_cast %mul3A_686 : i32 to index
      %swap3A_690 = tpu.vector_load %arg7[%swap3A_689] {strides = array<i32>} : memref<8208xf32, #tpu.memory_space<vmem>>, vector<16xf32>,
      tpu.vector_store %arg7[%swap3A_689], %div3A_682 {strides = array<i32>} : memref<8208xf32, #tpu.memory_space<vmem>>, vector<16xf32>,
      %rev3A_691 = arith.constant 15 : i32
      %rev3A_692 = vector.broadcast %rev3A_691 : i32 to vector<16xi32>
      %rev3A_693 = tpu.iota {dimensions = array<i32: 0>} : vector<16xi32>
      %rev3A_694 = arith.subi %rev3A_692, %rev3A_693 : vector<16xi32>
      %rev3A_695 = tpu.dynamic_gather %masked_sort3A_462[%rev3A_694] in [0] : vector<16xf32>, vector<16xi32> -> vector<16xf32>
      %rev3A_696 = arith.constant 15 : i32
      %rev3A_697 = vector.broadcast %rev3A_696 : i32 to vector<16xi32>
      %rev3A_698 = tpu.iota {dimensions = array<i32: 0>} : vector<16xi32>
      %rev3A_699 = arith.subi %rev3A_697, %rev3A_698 : vector<16xi32>
      %rev3A_700 = tpu.dynamic_gather %masked_sort3A_463[%rev3A_699] in [0] : vector<16xi32>, vector<16xi32> -> vector<16xi32>
      %select_n3A_701 = arith.select %lt3A_4, %masked_sort3A_446, %rev3A_695 : vector<16xi1>, vector<16xf32>
      %select_n3A_702 = arith.select %lt3A_4, %masked_sort3A_447, %rev3A_700 : vector<16xi1>, vector<16xi32>
      %masked_sort3A_703 = arith.constant dense<true> : vector<16xi1>
      %masked_sort3A_704, %masked_sort3A_705, %masked_sort3A_706 = tpu.sort %select_n3A_701, %select_n3A_702 masked %masked_sort3A_703 {descending = true} : (vector<16xf32>, vector<16xi32>, vector<16xi1>) -> (vector<16xi1>, vector<16xf32>, vector<16xi32>)
      %jit3A_707 = arith.constant 0.000000e+00 : f32
      %broadcast_in_dim3A_708 = vector.broadcast %jit3A_707 : f32 to vector<16xf32>
      %select_n3A_709 = arith.select %lt3A_4, %masked_sort3A_705, %broadcast_in_dim3A_708 : vector<16xi1>, vector<16xf32>
      %reduce_sum3A_710 = arith.constant true
      %reduce_sum3A_711 = vector.broadcast %reduce_sum3A_710 : i1 to vector<16xi1>
      %reduce_sum3A_712 = tpu.scan <sum>, %select_n3A_709 masked %reduce_sum3A_711 : vector<16xf32>, vector<16xi1> -> vector<16xf32>
      %reduce_sum3A_713 = vector.extract %reduce_sum3A_712[15] : f32 from vector<16xf32>
      %div3A_714 = vector.broadcast %reduce_sum3A_713 : f32 to vector<16xf32>
      %div3A_715 = arith.divf %masked_sort3A_705, %div3A_714 : vector<16xf32>
      %add3A_716 = arith.constant 7 : i32
      %add3A_717 = arith.addi %mul3A_28, %add3A_716 : i32
      %mul3A_718 = arith.constant 8 : i32
      %mul3A_719 = arith.muli %add3A_717, %mul3A_718 : i32
      %swap3A_720 = arith.index_cast %mul3A_719 : i32 to index
      %swap3A_721 = tpu.vector_load %arg6[%swap3A_720] {strides = array<i32>} : memref<8208xi32, #tpu.memory_space<vmem>>, vector<16xi32>,
      tpu.vector_store %arg6[%swap3A_720], %masked_sort3A_706 {strides = array<i32>} : memref<8208xi32, #tpu.memory_space<vmem>>, vector<16xi32>,
      %swap3A_722 = arith.index_cast %mul3A_719 : i32 to index
      %swap3A_723 = tpu.vector_load %arg7[%swap3A_722] {strides = array<i32>} : memref<8208xf32, #tpu.memory_space<vmem>>, vector<16xf32>,
      tpu.vector_store %arg7[%swap3A_722], %div3A_715 {strides = array<i32>} : memref<8208xf32, #tpu.memory_space<vmem>>, vector<16xf32>,
    }
    %scan3A_21 = arith.constant 128 : i32
    %mul3A_22 = arith.constant 8 : i32
    %mul3A_23 = arith.muli %mul3A_2, %mul3A_22 : i32
    "tpu.region"() ({
      %run_scoped3A = tpu.sem_alloc : memref<!tpu.dma_semaphore, #tpu.memory_space<semaphore_mem>>
      %dma_start3A = arith.constant 0 : i32
      %dma_start3A_26 = tpu.memref_slice %arg6[%dma_start3A] : memref<8208xi32, #tpu.memory_space<vmem>> -> memref<8192xi32, #tpu.memory_space<vmem>>
      %dma_start3A_27 = tpu.memref_slice %arg3[%mul3A_23] : memref<262144xi32, #tpu.memory_space<hbm>> -> memref<8192xi32, #tpu.memory_space<hbm>>
      %dma_start3A_28 = tpu.memref_slice %arg3[%mul3A_23] : memref<262144xi32, #tpu.memory_space<hbm>> -> memref<8192xi32, #tpu.memory_space<hbm>>
      %dma_start3A_29 = arith.constant 0 : i32
      %dma_start3A_30 = tpu.memref_slice %arg6[%dma_start3A_29] : memref<8208xi32, #tpu.memory_space<vmem>> -> memref<8192xi32, #tpu.memory_space<vmem>>
      tpu.enqueue_dma source(%dma_start3A_30 : memref<8192xi32, #tpu.memory_space<vmem>>) target(%dma_start3A_28 : memref<8192xi32, #tpu.memory_space<hbm>>) target_semaphore(%run_scoped3A : memref<!tpu.dma_semaphore, #tpu.memory_space<semaphore_mem>>)
      %dma_wait3A = arith.constant 0 : i32
      %dma_wait3A_31 = tpu.memref_slice %arg6[%dma_wait3A] : memref<8208xi32, #tpu.memory_space<vmem>> -> memref<8192xi32, #tpu.memory_space<vmem>>
      %dma_wait3A_32 = tpu.memref_slice %arg3[%mul3A_23] : memref<262144xi32, #tpu.memory_space<hbm>> -> memref<8192xi32, #tpu.memory_space<hbm>>
      %dma_wait3A_33 = tpu.memref_slice %arg3[%mul3A_23] : memref<262144xi32, #tpu.memory_space<hbm>> -> memref<8192xi32, #tpu.memory_space<hbm>>
      %dma_wait3A_34 = arith.constant 0 : i32
      %dma_wait3A_35 = tpu.memref_slice %arg6[%dma_wait3A_34] : memref<8208xi32, #tpu.memory_space<vmem>> -> memref<8192xi32, #tpu.memory_space<vmem>>
      tpu.wait_dma2 semaphore(%run_scoped3A : memref<!tpu.dma_semaphore, #tpu.memory_space<semaphore_mem>>) src(%dma_wait3A_35 : memref<8192xi32, #tpu.memory_space<vmem>>) dst(%dma_wait3A_33 : memref<8192xi32, #tpu.memory_space<hbm>>)
      tpu.yield
    }) : () -> ()
    %mul3A_24 = arith.constant 8 : i32
    %mul3A_25 = arith.muli %mul3A_2, %mul3A_24 : i32
    "tpu.region"() ({
      %run_scoped3A = tpu.sem_alloc : memref<!tpu.dma_semaphore, #tpu.memory_space<semaphore_mem>>
      %dma_start3A = arith.constant 0 : i32
      %dma_start3A_26 = tpu.memref_slice %arg7[%dma_start3A] : memref<8208xf32, #tpu.memory_space<vmem>> -> memref<8192xf32, #tpu.memory_space<vmem>>
      %dma_start3A_27 = tpu.memref_slice %arg4[%mul3A_25] : memref<262144xf32, #tpu.memory_space<hbm>> -> memref<8192xf32, #tpu.memory_space<hbm>>
      %dma_start3A_28 = tpu.memref_slice %arg4[%mul3A_25] : memref<262144xf32, #tpu.memory_space<hbm>> -> memref<8192xf32, #tpu.memory_space<hbm>>
      %dma_start3A_29 = arith.constant 0 : i32
      %dma_start3A_30 = tpu.memref_slice %arg7[%dma_start3A_29] : memref<8208xf32, #tpu.memory_space<vmem>> -> memref<8192xf32, #tpu.memory_space<vmem>>
      tpu.enqueue_dma source(%dma_start3A_30 : memref<8192xf32, #tpu.memory_space<vmem>>) target(%dma_start3A_28 : memref<8192xf32, #tpu.memory_space<hbm>>) target_semaphore(%run_scoped3A : memref<!tpu.dma_semaphore, #tpu.memory_space<semaphore_mem>>)
      %dma_wait3A = arith.constant 0 : i32
      %dma_wait3A_31 = tpu.memref_slice %arg7[%dma_wait3A] : memref<8208xf32, #tpu.memory_space<vmem>> -> memref<8192xf32, #tpu.memory_space<vmem>>
      %dma_wait3A_32 = tpu.memref_slice %arg4[%mul3A_25] : memref<262144xf32, #tpu.memory_space<hbm>> -> memref<8192xf32, #tpu.memory_space<hbm>>
      %dma_wait3A_33 = tpu.memref_slice %arg4[%mul3A_25] : memref<262144xf32, #tpu.memory_space<hbm>> -> memref<8192xf32, #tpu.memory_space<hbm>>
      %dma_wait3A_34 = arith.constant 0 : i32
      %dma_wait3A_35 = tpu.memref_slice %arg7[%dma_wait3A_34] : memref<8208xf32, #tpu.memory_space<vmem>> -> memref<8192xf32, #tpu.memory_space<vmem>>
      tpu.wait_dma2 semaphore(%run_scoped3A : memref<!tpu.dma_semaphore, #tpu.memory_space<semaphore_mem>>) src(%dma_wait3A_35 : memref<8192xf32, #tpu.memory_space<vmem>>) dst(%dma_wait3A_33 : memref<8192xf32, #tpu.memory_space<hbm>>)
      tpu.yield
    }) : () -> ()
    return
  }
}

module attributes {stable_mosaic.version = 14 : i64} {
  func.func @_dense_body(%arg0: i32, %arg1: memref<4096x768xf32, #tpu.memory_space<vmem>>, %arg2: memref<64x768xf32, #tpu.memory_space<vmem>>, %arg3: memref<64x4096xf32, #tpu.memory_space<vmem>>, %arg4: memref<1x1xf32, #tpu.memory_space<vmem>>, %arg5: memref<64x1xf32, #tpu.memory_space<vmem>>) attributes {dimension_semantics = [#tpu.dimension_semantics<arbitrary>], iteration_bounds = array<i64: 8>, scalar_prefetch = 0 : i64, scratch_operands = 1 : i64, tpu.core_type = #tpu.core_type<tc>, window_params = [{transform_indices = @transform_0, window_bounds = array<i64: 4096, 768>}, {pipeline_mode = #tpu.pipeline_mode<synchronous>, transform_indices = @transform_1, window_bounds = array<i64: 64, 768>}, {transform_indices = @transform_2, window_bounds = array<i64: 64, 4096>}, {pipeline_mode = #tpu.pipeline_mode<synchronous>, transform_indices = @transform_3, window_bounds = array<i64: 1, 1>}]} {
    %get3A = arith.constant 0 : index
    %get3A_0 = arith.constant 0 : index
    %get3A_1 = vector.load %arg1[%get3A, %get3A_0] : memref<4096x768xf32, #tpu.memory_space<vmem>>, vector<4096x768xf32>
    %get3A_2 = arith.constant 0 : index
    %get3A_3 = arith.constant 0 : index
    %get3A_4 = vector.load %arg2[%get3A_2, %get3A_3] : memref<64x768xf32, #tpu.memory_space<vmem>>, vector<64x768xf32>
    %dot_general3A = arith.constant dense<0.000000e+00> : vector<64x4096xf32>
    %dot_general3A_5 = tpu.matmul %get3A_4, %get3A_1, %dot_general3A {dimension_numbers = #tpu.dot_dimension_numbers<[1], [1], [0], [0], [0, 0, 1, 0], [], []>, transpose_lhs_hint = false} : vector<64x768xf32>, vector<4096x768xf32>, vector<64x4096xf32> -> vector<64x4096xf32>
    %reduce_max3A = arith.constant dense<0xFF800000> : vector<4096xf32>
    %reduce_max3A_6 = vector.multi_reduction <maximumf>, %dot_general3A_5, %reduce_max3A [0] : vector<64x4096xf32> to vector<4096xf32>
    %broadcast_in_dim3A = vector.shape_cast %reduce_max3A_6 : vector<4096xf32> to vector<1x4096xf32>
    %sub3A = vector.broadcast %broadcast_in_dim3A : vector<1x4096xf32> to vector<64x4096xf32>
    %sub3A_7 = arith.subf %dot_general3A_5, %sub3A : vector<64x4096xf32>
    %exp3A = math.exp %sub3A_7 : vector<64x4096xf32>
    %reduce_sum3A = arith.constant dense<0.000000e+00> : vector<4096xf32>
    %reduce_sum3A_8 = vector.multi_reduction <add>, %exp3A, %reduce_sum3A [0] : vector<64x4096xf32> to vector<4096xf32>
    %broadcast_in_dim3A_9 = vector.shape_cast %reduce_sum3A_8 : vector<4096xf32> to vector<1x4096xf32>
    %div3A = arith.constant 1.000000e+00 : f32
    %div3A_10 = vector.broadcast %div3A : f32 to vector<1x4096xf32>
    %div3A_11 = arith.divf %div3A_10, %broadcast_in_dim3A_9 : vector<1x4096xf32>
    %mul3A = vector.broadcast %div3A_11 : vector<1x4096xf32> to vector<64x4096xf32>
    %mul3A_12 = arith.mulf %exp3A, %mul3A : vector<64x4096xf32>
    %swap3A = arith.constant 0 : index
    %swap3A_13 = arith.constant 0 : index
    %swap3A_14 = vector.load %arg3[%swap3A, %swap3A_13] : memref<64x4096xf32, #tpu.memory_space<vmem>>, vector<64x4096xf32>
    tpu.vector_store %arg3[%swap3A, %swap3A_13], %mul3A_12 {strides = array<i32>} : memref<64x4096xf32, #tpu.memory_space<vmem>>, vector<64x4096xf32>,
    %eq3A = arith.constant 0 : i32
    %eq3A_15 = arith.cmpi eq, %arg0, %eq3A : i32
    %convert_element_type3A = arith.extui %eq3A_15 : i1 to i32
    %cond3A = arith.constant 0 : i32
    %cond3A_16 = arith.cmpi ne, %convert_element_type3A, %cond3A : i32
    scf.if %cond3A_16 {
      %broadcast_in_dim3A_31 = arith.constant 0.000000e+00 : f32
      %broadcast_in_dim3A_32 = vector.broadcast %broadcast_in_dim3A_31 : f32 to vector<64x1xf32>
      %swap3A_33 = arith.constant 0 : index
      %swap3A_34 = arith.constant 0 : index
      %swap3A_35 = vector.load %arg5[%swap3A_33, %swap3A_34] : memref<64x1xf32, #tpu.memory_space<vmem>>, vector<64x1xf32>
      tpu.vector_store %arg5[%swap3A_33, %swap3A_34], %broadcast_in_dim3A_32 {strides = array<i32>} : memref<64x1xf32, #tpu.memory_space<vmem>>, vector<64x1xf32>,
    } else {
    }
    %get3A_17 = arith.constant 0 : index
    %get3A_18 = arith.constant 0 : index
    %get3A_19 = vector.load %arg5[%get3A_17, %get3A_18] : memref<64x1xf32, #tpu.memory_space<vmem>>, vector<64x1xf32>
    %reduce_sum3A_20 = arith.constant dense<0.000000e+00> : vector<64xf32>
    %reduce_sum3A_21 = vector.multi_reduction <add>, %mul3A_12, %reduce_sum3A_20 [1] : vector<64x4096xf32> to vector<64xf32>
    %broadcast_in_dim3A_22 = vector.shape_cast %reduce_sum3A_21 : vector<64xf32> to vector<64x1xf32>
    %add3A = arith.addf %get3A_19, %broadcast_in_dim3A_22 : vector<64x1xf32>
    %swap3A_23 = arith.constant 0 : index
    %swap3A_24 = arith.constant 0 : index
    %swap3A_25 = vector.load %arg5[%swap3A_23, %swap3A_24] : memref<64x1xf32, #tpu.memory_space<vmem>>, vector<64x1xf32>
    tpu.vector_store %arg5[%swap3A_23, %swap3A_24], %add3A {strides = array<i32>} : memref<64x1xf32, #tpu.memory_space<vmem>>, vector<64x1xf32>,
    %eq3A_26 = arith.constant 7 : i32
    %eq3A_27 = arith.cmpi eq, %arg0, %eq3A_26 : i32
    %convert_element_type3A_28 = arith.extui %eq3A_27 : i1 to i32
    %cond3A_29 = arith.constant 0 : i32
    %cond3A_30 = arith.cmpi ne, %convert_element_type3A_28, %cond3A_29 : i32
    scf.if %cond3A_30 {
      %get3A_31 = arith.constant 0 : index
      %get3A_32 = arith.constant 0 : index
      %get3A_33 = vector.load %arg5[%get3A_31, %get3A_32] : memref<64x1xf32, #tpu.memory_space<vmem>>, vector<64x1xf32>
      %mul3A_34 = arith.constant 3.05175781E-5 : f32
      %mul3A_35 = vector.broadcast %mul3A_34 : f32 to vector<64x1xf32>
      %mul3A_36 = arith.mulf %get3A_33, %mul3A_35 : vector<64x1xf32>
      %mul3A_37 = arith.mulf %mul3A_36, %mul3A_36 : vector<64x1xf32>
      %reduce_sum3A_38 = vector.shape_cast %mul3A_37 : vector<64x1xf32> to vector<1x64x1xf32>
      %reduce_sum3A_39 = arith.constant dense<0.000000e+00> : vector<1xf32>
      %reduce_sum3A_40 = vector.multi_reduction <add>, %reduce_sum3A_38, %reduce_sum3A_39 [1, 2] : vector<1x64x1xf32> to vector<1xf32>
      %reduce_sum3A_41 = vector.shape_cast %reduce_sum3A_40 : vector<1xf32> to vector<1x1x1xf32>
      %reduce_sum3A_42 = vector.extract %reduce_sum3A_41[0, 0, 0] : f32 from vector<1x1x1xf32>
      %mul3A_43 = arith.constant 6.400000e-02 : f32
      %mul3A_44 = arith.mulf %reduce_sum3A_42, %mul3A_43 : f32
      %broadcast_in_dim3A_45 = arith.constant 1.000000e+00 : f32
      %broadcast_in_dim3A_46 = vector.broadcast %broadcast_in_dim3A_45 : f32 to vector<1x1xf32>
      %mul3A_47 = vector.broadcast %mul3A_44 : f32 to vector<1x1xf32>
      %mul3A_48 = arith.mulf %mul3A_47, %broadcast_in_dim3A_46 : vector<1x1xf32>
      %swap3A_49 = arith.constant 0 : index
      %swap3A_50 = arith.constant 0 : index
      %swap3A_51 = vector.load %arg4[%swap3A_49, %swap3A_50] : memref<1x1xf32, #tpu.memory_space<vmem>>, vector<1x1xf32>
      tpu.vector_store %arg4[%swap3A_49, %swap3A_50], %mul3A_48 {strides = array<i32>} : memref<1x1xf32, #tpu.memory_space<vmem>>, vector<1x1xf32>,
    } else {
    }
    return
  }
  func.func @transform_0(%arg0: i32) -> (i32, i32) {
    %c0_i32 = arith.constant 0 : i32
    %c0_i32_0 = arith.constant 0 : i32
    return %arg0, %c0_i32 : i32, i32
  }
  func.func @transform_1(%arg0: i32) -> (i32, i32) {
    %c0_i32 = arith.constant 0 : i32
    %c0_i32_0 = arith.constant 0 : i32
    %c0_i32_1 = arith.constant 0 : i32
    return %c0_i32, %c0_i32_0 : i32, i32
  }
  func.func @transform_2(%arg0: i32) -> (i32, i32) {
    %c0_i32 = arith.constant 0 : i32
    %c0_i32_0 = arith.constant 0 : i32
    return %c0_i32, %arg0 : i32, i32
  }
  func.func @transform_3(%arg0: i32) -> (i32, i32) {
    %c0_i32 = arith.constant 0 : i32
    %c0_i32_0 = arith.constant 0 : i32
    %c0_i32_1 = arith.constant 0 : i32
    return %c0_i32, %c0_i32_0 : i32, i32
  }
}

</mosaic_0001>

<sc_bundles>
// kernel: _router.4.cloned.1.call-start
scs
__scs_entry_jumppad:
0x0: {  	(pc) =	sbr.rel $0x88, $3  }
0x1: {  	(tag) =	ssettag $0x0;
	lr =	simm.s32 $0x1  }
0x2: {  	[smem:$0x3F9F] =	sst lr;
	_ =	strace $0xD0000000  }
0x3: {  	_ = 	snop  }
0x4: {  	_ = 	snop  }
0x5: {  	_ = 	snop  }
0x6: {  	_ = 	snop  }
0x7: {  	_ = 	snop  }
__scs_overlays_trampoline_lowered:
0x8: {  	[smem:$0x3FAE] =	sst s0  }
0x9: {  	[smem:$0x3FAF] =	sst s1  }
0xa: {  	[smem:$0x3FB0] =	sst s2  }
0xb: {  	[smem:$0x3FB1] =	sst s3  }
0xc: {  	[smem:$0x3FB2] =	sst s4  }
0xd: {  	[smem:$0x3FB3] =	sst s5  }
0xe: {  	[smem:$0x3FB4] =	sst s6  }
0xf: {  	[smem:$0x3FB5] =	sst s7  }
0x10: {  	[smem:$0x3FB6] =	sst s8  }
0x11: {  	[smem:$0x3FB7] =	sst s9;
	s0 =	simm.s32 @!p0 $0x0  }
0x12: {  	s1 =	sld [smem:$0x3F9D];
	s0 =	simm.s32 @p0 $0x1  }
0x13: {  	[smem:$0x3FB8] =	sst s0;
	s0 =	simm.s32 @!p1 $0x0  }
0x14: {  	s2 =	sld [smem:$0x3F9C];
	s0 =	simm.s32 @p1 $0x1  }
0x15: {  	[smem:$0x3FB9] =	sst s0;
	s0 =	simm.s32 @!p2 $0x0  }
0x16: {  	s3 =	sld [smem:$0x3FDB];
	s0 =	simm.s32 @p2 $0x1  }
0x17: {  	s4 =	simm.s32 $0x1BF5;
	[smem:$0x3FBB] =	sst s0  }
0x18: {  	s0 =	sld [smem:$0x3F9E];
	_ =	swait.ge [sflag:s4], $0x0  }
0x19: {  	s7 =	sld [smem:$0x3F9F]  }
0x1a: {  	s8 =	sadd.s32 $0xFFFFE003, lr  }
0x1b: {  	s9 =	sadd.s32 $0xFFFFFEF7, lr;
	s5 =	simm.s32 $0xFFFFFFFF;
	p2 =	slt.u32 s8, $0xFFFFF086  }
0x1c: {  	p1 =	slt.u32 s9, $0xF7A;
	s5 =	simm.s32 @!p2 $0x0  }
0x1d: {  	s5 =	simm.s32 @p1 $0x1;
	p0 =	seq.s32 s7, s2  }
0x1e: {  	s7 =	smul.u32 @!p0 $0xF7A, s2;
	p2 =	seq.s32 @!p0 s5, $0x0  }
0x1f: {  	s9 =	smul.u32 $0xF7A, s1;
	s8 =	simm.s32 @!p0 $0x1BF5;
	p2 =	por !p2, p0  }
0x20: {  	[sflag:s8] =	ssyncset.s32 @!p0 $0xFFFFF086;
	s6 =	sadd.s32 @!p0 s3, s7;
	s7 =	simm.s32 @!p0 $0x108  }
0x21: {  	s3 =	sadd.s32 s3, s9;
	s6 =	sadd.s32 @!p0 $0x88, s6;
	s7 =	simm.s32 @p2 $0x1082  }
0x22: {  	[simem:s7], [sflag:s8] =	dma.local @!p0 [hbm:s6], $0xF7A  }
0x23: {  	s9 =	sor.u32 $0xD0000000, s2;
	s6 =	simm.s32 $0x108;
	_ =	swait.ge @!p0 [sflag:s8], $0x0  }
0x24: {  	s3 =	sadd.s32 $0x88, s3;
	s6 =	simm.s32 @!p1 $0x1082;
	[sflag:s4] =	ssyncset.s32 $0xFFFFF086  }
0x25: {  	[simem:s6], [sflag:s4] =	dma.local [hbm:s3], $0xF7A  }
0x26: {  	[smem:$0x3F9F] =	sst s1;
	(tag) =	ssettag s2;
	_ =	strace s9  }
0x27: {  	s1 =	sld [smem:$0x3FAF]  }
0x28: {  	s2 =	sld [smem:$0x3FB0]  }
0x29: {  	s4 =	sld [smem:$0x3FB2]  }
0x2a: {  	p0 =	seq.s32 s5, $0x0;
	s5 =	sld [smem:$0x3FB3]  }
0x2b: {  	s6 =	sld [smem:$0x3FB4]  }
0x2c: {  	s7 =	sld [smem:$0x3FB5]  }
0x2d: {  	s3 =	simm.s32 $0x108;
	s8 =	sld [smem:$0x3FB6]  }
0x2e: {  	s3 =	simm.s32 @!p0 $0x1082;
	s9 =	sld [smem:$0x3FB7]  }
0x2f: {  	lr =	sadd.s32 s0, s3;
	s0 =	sld [smem:$0x3FAE]  }
0x30: {  	s3 =	sld [smem:$0x3FB1]  }
0x31: {  	[smem:$0x3FBA] =	sst s10  }
0x32: {  	s10 =	sld [smem:$0x3FB8];
	_ =	sdelay $0x3  }
0x33: {  	p0 =	seq.s32 s10, $0x1;
	s10 =	sld [smem:$0x3FBA];
	_ =	sdelay $0x3  }
0x34: {  	[smem:$0x3FBA] =	sst s10  }
0x35: {  	s10 =	sld [smem:$0x3FB9];
	_ =	sdelay $0x3  }
0x36: {  	p1 =	seq.s32 s10, $0x1;
	s10 =	sld [smem:$0x3FBA];
	_ =	sdelay $0x3  }
0x37: {  	[smem:$0x3FBA] =	sst s10  }
0x38: {  	s10 =	sld [smem:$0x3FBB]  }
0x39: {  	_ = 	snop;
	(pc) =	sbr.ind lr, $3  }
0x3a: {  	_ = 	snop  }
0x3b: {  	_ = 	snop  }
0x3c: {  	p2 =	seq.s32 s10, $0x1;
	s10 =	sld [smem:$0x3FBA]  }
0x3d: {  	_ =	shalt  }
0x3e: {  	_ =	shalt  }
0x3f: {  	_ =	shalt  }
0x40: {  	_ =	shalt  }
0x41: {  	_ =	shalt  }
0x42: {  	_ =	shalt  }
0x43: {  	_ =	shalt  }
0x44: {  	_ =	shalt  }
0x45: {  	_ =	shalt  }
0x46: {  	_ =	shalt  }
0x47: {  	_ =	shalt  }
0x48: {  	_ =	shalt  }
0x49: {  	_ =	shalt  }
0x4a: {  	_ =	shalt  }
0x4b: {  	_ =	shalt  }
0x4c: {  	_ =	shalt  }
0x4d: {  	_ =	shalt  }
0x4e: {  	_ =	shalt  }
0x4f: {  	_ =	shalt  }
0x50: {  	_ =	shalt  }
0x51: {  	_ =	shalt  }
0x52: {  	_ =	shalt  }
0x53: {  	_ =	shalt  }
0x54: {  	_ =	shalt  }
0x55: {  	_ =	shalt  }
0x56: {  	_ =	shalt  }
0x57: {  	_ =	shalt  }
0x58: {  	_ =	shalt  }
0x59: {  	_ =	shalt  }
0x5a: {  	_ =	shalt  }
0x5b: {  	_ =	shalt  }
0x5c: {  	_ =	shalt  }
0x5d: {  	_ =	shalt  }
0x5e: {  	_ =	shalt  }
0x5f: {  	_ =	shalt  }
0x60: {  	_ =	shalt  }
0x61: {  	_ =	shalt  }
0x62: {  	_ =	shalt  }
0x63: {  	_ =	shalt  }
0x64: {  	_ =	shalt  }
0x65: {  	_ =	shalt  }
0x66: {  	_ =	shalt  }
0x67: {  	_ =	shalt  }
0x68: {  	_ =	shalt  }
0x69: {  	_ =	shalt  }
0x6a: {  	_ =	shalt  }
0x6b: {  	_ =	shalt  }
0x6c: {  	_ =	shalt  }
0x6d: {  	_ =	shalt  }
0x6e: {  	_ =	shalt  }
0x6f: {  	_ =	shalt  }
0x70: {  	_ =	shalt  }
0x71: {  	_ =	shalt  }
0x72: {  	_ =	shalt  }
0x73: {  	_ =	shalt  }
0x74: {  	_ =	shalt  }
0x75: {  	_ =	shalt  }
0x76: {  	_ =	shalt  }
0x77: {  	_ =	shalt  }
0x78: {  	_ =	shalt  }
0x79: {  	_ =	shalt  }
0x7a: {  	_ =	shalt  }
0x7b: {  	_ =	shalt  }
0x7c: {  	_ =	shalt  }
0x7d: {  	_ =	shalt  }
0x7e: {  	_ =	shalt  }
0x7f: {  	_ =	shalt  }
0x80: {  	_ =	shalt  }
0x81: {  	_ =	shalt  }
0x82: {  	_ =	shalt  }
0x83: {  	_ =	shalt  }
0x84: {  	_ =	shalt  }
0x85: {  	_ =	shalt  }
0x86: {  	_ =	shalt  }
0x87: {  	_ =	shalt  }
.Lfunc_end0:
.L_simem_size_0:
called_computation_lowered:
.L_overlay_start_0:
0x88: {  	s2 =	sld [smem:$0x3FD9]  }
0x89: {  	s3 =	sld [smem:$0x3FFE];
	_ =	sdelay $0x1  }
0x8a: {  	s1 =	srdreg.scid  }
0x8b: {  	s0 =	sand.u32 $0x1, s1  }
0x8c: {  	s14 =	sshll.u32 s0, $0xA;
	s2 =	sadd.s32 s3, s2  }
0x8d: {  	s2 =	sadd.s32 s2, s14  }
0x8e: {  	[smem:$0x3FC6] =	sst s2  }
0x8f: {  	_ = 	snop  }
0x90: {  	s2 =	sld [smem:$0x3FD0];
	_ =	sdelay $0x2  }
0x91: {  	s15 =	simm.s32 $0xA;
	s4 =	simm.s32 $0x10  }
0x92: {  	[smem:s4], [sflag:s15] =	dma.local [hbm:s2], $0x1  }
0x93: {  	_ =	swait.eq [sflag:s15], $0x1  }
0x94: {  	[sflag:s15] =	ssyncset.done $0x0  }
0x95: {  	[sflag:s15] =	ssyncadd.s32 $0xFFFFFFFF  }
0x96: {  	s16 =	sld [smem:$0x11];
	(tm) =	ssettm $0x1  }
0x97: {  	s17 =	sld [smem:$0x3FFB];
	_ =	sdelay $0x3  }
0x98: {  	_ =	strace s17  }
0x99: {  	s3 =	sld [smem:$0x3FFC];
	_ =	sdelay $0x3  }
0x9a: {  	_ =	strace s3  }
0x9b: {  	s3 =	sld [smem:$0x3FFD];
	_ =	sdelay $0x3  }
0x9c: {  	_ =	strace s3  }
0x9d: {  	_ =	strace $0x8FFFFFFF  }
0x9e: {  	s18 =	sld [smem:$0x3FDB];
	_ =	sdelay $0x1  }
0x9f: {  	s19 =	simm.s32 $_scs_section_size  }
0xa0: {  	s5 =	simm.s32 $_size__tile_overlayer_lowered;
	s6 =	simm.s32 $_tile_overlayer_lowered  }
0xa1: {  	s22 =	simm.s32 $0x1BFF;
	s21 =	sshll.u32 s6, $0x1;
	s3 =	sadd.s32 s19, s18  }
0xa2: {  	s7 =	simm.s32 $0x0;
	s20 =	sshll.u32 s5, $0x1;
	s5 =	sadd.s32 s21, s3  }
0xa3: {  	[timem:s7], [sflag:s22] =	dma.local [hbm:s5], s20  }
0xa4: {  	_ =	swait.ge [sflag:s22], s20  }
0xa5: {  	s4 =	ssub.s32 $0x0, s20;
	[sflag:s22] =	ssyncset.done $0x0  }
0xa6: {  	[sflag:s22] =	ssyncadd.s32 s4;
	_ =	sdelay $0x1  }
0xa7: {  	s23 =	simm.s32 $0x1B8B  }
0xa8: {  	_ =	swait.ge [sflag:s23], $0x1  }
0xa9: {  	[sflag:s23] =	ssyncset.done $0x0  }
0xaa: {  	s25 =	simm.s32 $0x1B8E;
	s24 =	sld [smem:$0x3FFE];
	[sflag:s23] =	ssyncadd.s32 $0xFFFFFFFF  }
0xab: {  	s26 =	simm.s32 $execute0_lowered;
	[smem:$0x3FD2] =	sst s25  }
0xac: {  	s5 =	sshll.u32 s26, $0x1;
	_ =	strace $0x80000046;
	[dreg:$0x1] =	wrdreg $0xFFFFFFFF  }
0xad: {  	s28 =	simm.s32 $_size_execute0_lowered;
	s3 =	sadd.s32 s3, s5;
	[dreg:$0x0] =	wrdreg $0x0  }
0xae: {  	s5 =	sshll.u32 s28, $0x1;
	[dreg:$0x2] =	wrdreg s3  }
0xaf: {  	[dreg:$0x3] =	wrdreg s5  }
0xb0: {  	[dreg:$0x4] =	wrdreg $0xC0  }
0xb1: {  	_ =	task [dreg:s7], $0x5FFFF  }
0xb2: {  	[dreg:$0x1] =	wrdreg $0xFFFFFFFF  }
0xb3: {  	[dreg:$0x0] =	wrdreg $0x60  }
0xb4: {  	[dreg:$0x2] =	wrdreg s24  }
0xb5: {  	[dreg:$0x3] =	wrdreg s16  }
0xb6: {  	[dreg:$0x4] =	wrdreg $0x9  }
0xb7: {  	_ =	task.clear_ibuf [dreg:s7], $0x5FFFF;
	_ =	strace $0x90000046  }
0xb8: {  	s29 =	simm.s32 $0x9;
	_ =	strace $0x80000048  }
0xb9: {  	_ =	swait.ge [sflag:s29], $0x1  }
0xba: {  	[sflag:s29] =	ssyncadd.s32 $0xFFFFFFFF  }
0xbb: {  	_ =	strace $0x90000048  }
0xbc: {  	_ =	sfence  }
0xbd: {  	s30 =	sld [smem:$0x0];
	_ =	sdelay $0x2  }
0xbe: {  	s31 =	sshll.u32 s1, $0xD;
	s1 =	sshrl.u32 s1, $0x2  }
0xbf: {  	s3 =	sand.u32 $0x4000, s31;
	s1 =	sadd.s32 s1, s30  }
0xc0: {  	s0 =	sor.u32 s3, s0;
	s1 =	sshll.u32 s1, $0x11  }
0xc1: {  	s0 =	sor.u32 s1, s0  }
0xc2: {  	s0 =	sadd.s32 $0x8F2B, s0  }
0xc3: {  	[sflag:s0] =	ssyncadd.remote.s32 $0x1  }
0xc4: {  	_ =	sfence.sel $0xFFFF  }
0xc5: {  	[dreg:$0x0] =	wrdreg $0xFFFFFFFF;
	(pc) =	sbr.abs _section_cstart, $3  }
0xc6: {  	[dreg:$0x1] =	wrdreg $0xFFFFFFFF  }
0xc7: {  	_ =	task.clear_ibuf [dreg:s7], $0x2FFFF;
	_ =	strace $0x9FFFFFFF  }
0xc8: {  	(tm) =	ssettm $0x7FFFFFFF  }
0xc9: {  	_ =	shalt  }
tec
execute0_lowered:
.L_overlay_start_1:
0x0: {  	(tag) =	ssettag $0x1  }
0x1: {  	v0 =	vimm.s32 $0x2380;
	vm14 =	vcmask $0x300  }
0x2: {  	vm13 =	vcmask $0x704;
	vm12 =	vcmask $0xB08;
	vm11 =	vcmask $0xF0C  }
0x3: {  	vm10 =	vcmask $0x1310;
	vm9 =	vcmask $0x1714;
	vm8 =	vcmask $0x1B18  }
0x4: {  	vm7 =	vcmask $0x1F1C;
	vm6 =	vcmask $0x2320;
	vm5 =	vcmask $0x2724  }
0x5: {  	vm4 =	vcmask $0x2B28;
	vm3 =	vcmask $0x2F2C;
	vm2 =	vcmask $0x3330  }
0x6: {  	vm1 =	vcmask $0x3734;
	v1 =	vimm.s32 $0x6380;
	vm0 =	vcmask $0x3B38  }
0x7: {  	v3 =	vimm.s32 $0xA380;
	v4 =	vimm.s32 $0xE380;
	v0 =	vsel vm14, $0x0, v0  }
0x8: {  	v2 =	vsel vm14, $0x4000, v1;
	v1 =	vlaneseq.u32;
	v3 =	vsel vm14, $0x8000, v3  }
0x9: {  	v4 =	vsel vm14, $0xC000, v4;
	v0 =	vsel vm13, $0x80, v0;
	v2 =	vsel vm13, $0x4080, v2  }
0xa: {  	v3 =	vsel vm13, $0x8080, v3;
	v4 =	vsel vm13, $0xC080, v4;
	v8 =	vmul.u32 $0xFFFFFFFF, v1  }
0xb: {  	v7 =	vor.u32 $0x30, v1;
	v0 =	vsel vm12, $0x100, v0;
	v2 =	vsel vm12, $0x4100, v2  }
0xc: {  	v3 =	vsel vm12, $0x8100, v3;
	v4 =	vsel vm12, $0xC100, v4;
	v0 =	vsel vm11, $0x180, v0  }
0xd: {  	v2 =	vsel vm11, $0x4180, v2;
	v3 =	vsel vm11, $0x8180, v3;
	v4 =	vsel vm11, $0xC180, v4  }
0xe: {  	v8 =	vadd.s32 $0xF, v8;
	v0 =	vsel vm10, $0x200, v0;
	v2 =	vsel vm10, $0x4200, v2  }
0xf: {  	v3 =	vsel vm10, $0x8200, v3;
	v4 =	vsel vm10, $0xC200, v4;
	v0 =	vsel vm9, $0x280, v0  }
0x10: {  	v2 =	vsel vm9, $0x4280, v2;
	v3 =	vsel vm9, $0x8280, v3;
	v4 =	vsel vm9, $0xC280, v4  }
0x11: {  	v0 =	vsel vm8, $0x300, v0;
	v2 =	vsel vm8, $0x4300, v2;
	v3 =	vsel vm8, $0x8300, v3  }
0x12: {  	v4 =	vsel vm8, $0xC300, v4;
	v0 =	vsel vm7, $0x380, v0;
	v2 =	vsel vm7, $0x4380, v2  }
0x13: {  	v3 =	vsel vm7, $0x8380, v3;
	v4 =	vsel vm7, $0xC380, v4;
	v0 =	vsel vm6, $0x2000, v0  }
0x14: {  	v2 =	vsel vm6, $0x6000, v2;
	v3 =	vsel vm6, $0xA000, v3;
	v4 =	vsel vm6, $0xE000, v4  }
0x15: {  	s3 =	rddreg [dreg:$0x0];
	s1 =	srdreg.scid;
	v0 =	vsel vm5, $0x2080, v0;
	v2 =	vsel vm5, $0x6080, v2;
	v3 =	vsel vm5, $0xA080, v3  }
0x16: {  	s4 =	rddreg [dreg:$0x1];
	s0 =	stileid.u32;
	s2 =	simm.s32 $0x0;
	v4 =	vsel vm5, $0xE080, v4;
	v0 =	vsel vm4, $0x2100, v0;
	v2 =	vsel vm4, $0x6100, v2  }
0x17: {  	s9 =	simm.s32 $0x1;
	s10 =	simm.s32 $0x10000;
	s11 =	simm.s32 $0x12080;
	v3 =	vsel vm4, $0xA100, v3;
	v4 =	vsel vm4, $0xE100, v4;
	v0 =	vsel vm3, $0x2180, v0  }
0x18: {  	s12 =	simm.s32 $0x0;
	s5 =	sand.u32 $0x1, s1;
	s1 =	rddreg [dreg:$0x2];
	v2 =	vsel vm3, $0x6180, v2;
	v5 =	vsel vm3, $0xA180, v3;
	v4 =	vsel vm3, $0xE180, v4  }
0x19: {  	s6 =	sshll.u32 s0, $0xB;
	s7 =	sshll.u32 s5, $0xA;
	s5 =	ssub.s32 $0x2, s5;
	v3 =	vor.u32 $0x10, v1;
	v0 =	vsel vm2, $0x2200, v0;
	v2 =	vsel vm2, $0x6200, v2  }
0x1a: {  	[smem:$0x7FF] =	sst s2;
	s6 =	sor.u32 s7, s6;
	s31 =	sshrl.u32 s5, $0x1;
	v5 =	vsel vm2, $0xA200, v5;
	v4 =	vsel vm2, $0xE200, v4;
	v0 =	vsel vm1, $0x2280, v0  }
0x1b: {  	_ =	strace $0x80000047;
	s7 =	sadd.s32 s6, s3;
	s8 =	ssub.s32 s5, s31;
	v2 =	vsel vm1, $0x6280, v2;
	v5 =	vsel vm1, $0xA280, v5;
	v6 =	vsel vm1, $0xE280, v4  }
0x1c: {  	s4 =	sadd.s32 s4, s6;
	s3 =	sadd.s32 $0x1000, s7;
	s5 =	sadd.s32 $0x41000, s7;
	v0 =	vsel vm0, $0x2300, v0;
	v2 =	vsel vm0, $0x6300, v2;
	v4 =	vsel vm0, $0xA300, v5  }
0x1d: {  	s6 =	smax.u32 s8, $0x1;
	s7 =	simm.s32 $0x2000;
	s8 =	simm.s32 $0x40000;
	v5 =	vor.u32 $0x20, v1;
	v6 =	vsel vm0, $0xE300, v6;
	vm0 =	vmmov $0xff  }
.LBB2_1:
0x1e: {  	[tilespmem:s2], [sflag:$0x1] =	stream.strided.gather [hbm4b:s3+s7], $0x10000, s8, s7, $0x38;
	[tilespmem:$0x14100] =	vst v63  }
0x1f: {  	_ =	swait.ge [sflag:s9], $0x10000  }
0x20: {  	s13 =	simm.s32 $0x7;
	[sflag:s9] =	ssyncset.done $0x0  }
0x21: {  	s14 =	simm.s32 $0x120A0;
	s15 =	simm.s32 $0x10020;
	[sflag:s9] =	ssyncadd.s32 $0xFFFF0000  }
.LBB2_2:
0x22: {  	s16 =	sadd.s32 $0xFFFFFFF9, s13  }
0x23: {  	v9 =	vmov s16  }
0x24: {  	v10 =	vshll.u32 v9, $0x3  }
0x25: {  	v9 =	vand.u32 $0x78, v9;
	v10 =	vand.u32 $0x1C00, v10  }
0x26: {  	s25 =	sadd.s32 $0xFFFFFFFA, s13;
	v9 =	vor.u32 v9, v10  }
0x27: {  	v11 =	vmov s25;
	v10 =	vor.u32 v0, v9  }
0x28: {  	v13 =	vshll.u32 v11, $0x3;
	v12 =	vor.u32 v2, v9  }
0x29: {  	v11 =	vand.u32 $0x79, v11;
	v13 =	vand.u32 $0x1C00, v13;
	v14 =	vor.u32 v4, v9  }
0x2a: {  	s26 =	sadd.s32 $0xFFFFFFFB, s13;
	v11 =	vor.u32 v11, v13;
	v9 =	vor.u32 v6, v9  }
0x2b: {  	v15 =	vmov s26;
	v13 =	vor.u32 v0, v11  }
0x2c: {  	v17 =	vshll.u32 v15, $0x3;
	v16 =	vor.u32 v2, v11;
	v10 =	vld.idx.msk [tilespmem:v10+s2+$0x0], $0xffff  }
0x2d: {  	v15 =	vand.u32 $0x7A, v15;
	v17 =	vand.u32 $0x1C00, v17;
	v18 =	vor.u32 v4, v11;
	v12 =	vld.idx.msk [tilespmem:v12+s2+$0x0], $0xffff  }
0x2e: {  	s28 =	sadd.s32 $0xFFFFFFFC, s13;
	v15 =	vor.u32 v15, v17;
	v11 =	vor.u32 v6, v11;
	v14 =	vld.idx.msk [tilespmem:v14+s2+$0x0], $0xffff  }
0x2f: {  	v19 =	vmov s28;
	v17 =	vor.u32 v0, v15;
	v9 =	vld.idx.msk [tilespmem:v9+s2+$0x0], $0xffff  }
0x30: {  	v21 =	vshll.u32 v19, $0x3;
	v20 =	vor.u32 v2, v15;
	v13 =	vld.idx.msk [tilespmem:v13+s2+$0x0], $0xffff  }
0x31: {  	v19 =	vand.u32 $0x7B, v19;
	v21 =	vand.u32 $0x1C00, v21;
	v34 =	vor.u32 v4, v15;
	(xrf1) =	vsort.dscd.msk.f32 $0xffff, v10, v1;
	v10 =	vld.idx.msk [tilespmem:v16+s2+$0x0], $0xffff  }
0x32: {  	s29 =	sadd.s32 $0xFFFFFFFD, s13;
	v36 =	vor.u32 v19, v21;
	v15 =	vor.u32 v6, v15;
	v35 =	vld.idx.msk [tilespmem:v18+s2+$0x0], $0xffff;
	(xrf1) =	vsort.dscd.msk.f32 $0xffff, v12, v3  }
0x33: {  	v38 =	vmov s29;
	v37 =	vor.u32 v0, v36;
	v11 =	vld.idx.msk [tilespmem:v11+s2+$0x0], $0xffff;
	(xrf1) =	vsort.dscd.msk.f32 $0xffff, v14, v5  }
0x34: {  	v40 =	vshll.u32 v38, $0x3;
	v39 =	vor.u32 v2, v36;
	(xrf1) =	vsort.dscd.msk.f32 $0xffff, v9, v7;
	v9 =	vld.idx.msk [tilespmem:v17+s2+$0x0], $0xffff  }
0x35: {  	v19 =	vand.u32 $0x7C, v38;
	v21 =	vand.u32 $0x1C00, v40;
	v42 =	vor.u32 v4, v36;
	v41 =	vld.idx.msk [tilespmem:v20+s2+$0x0], $0xffff;
	(xrf1) =	vsort.dscd.msk.f32 $0xffff, v13, v1  }
0x36: {  	s30 =	sadd.s32 $0xFFFFFFFE, s13;
	v43 =	vor.u32 v6, v36;
	v44 =	vor.u32 v19, v21;
	(xrf1) =	vsort.dscd.msk.f32 $0xffff, v10, v3;
	v10 =	vld.idx.msk [tilespmem:v34+s2+$0x0], $0xffff  }
0x37: {  	v47 =	vmov s30;
	v46 =	vor.u32 v0, v44;
	v45 =	vld.idx.msk [tilespmem:v15+s2+$0x0], $0xffff;
	(xrf1) =	vsort.dscd.msk.f32 $0xffff, v35, v5  }
0x38: {  	v49 =	vshll.u32 v47, $0x3;
	v48 =	vor.u32 v2, v44;
	(xrf1) =	vsort.dscd.msk.f32 $0xffff, v11, v7;
	v11 =	vld.idx.msk [tilespmem:v37+s2+$0x0], $0xffff  }
0x39: {  	v19 =	vand.u32 $0x7D, v47;
	v21 =	vand.u32 $0x1C00, v49;
	v50 =	vor.u32 v4, v44;
	(xrf1) =	vsort.dscd.msk.f32 $0xffff, v9, v1;
	v9 =	vld.idx.msk [tilespmem:v39+s2+$0x0], $0xffff  }
0x3a: {  	s31 =	sadd.s32 $0xFFFFFFFF, s13;
	v19 =	vor.u32 v19, v21;
	v51 =	vld.idx.msk [tilespmem:v42+s2+$0x0], $0xffff;
	v18 =	vor.u32 v6, v44;
	(xrf1) =	vsort.dscd.msk.f32 $0xffff, v41, v3  }
0x3b: {  	v53 =	vmov s31;
	v52 =	vor.u32 v0, v19;
	(xrf1) =	vsort.dscd.msk.f32 $0xffff, v10, v5;
	v10 =	vld.idx.msk [tilespmem:v43+s2+$0x0], $0xffff  }
0x3c: {  	v56 =	vshll.u32 v53, $0x3;
	v55 =	vor.u32 v2, v19;
	v54 =	vld.idx.msk [tilespmem:v46+s2+$0x0], $0xffff;
	(xrf1) =	vsort.dscd.msk.f32 $0xffff, v45, v7  }
0x3d: {  	v21 =	vand.u32 $0x1C00, v56;
	v57 =	vor.u32 v4, v19;
	v20 =	vand.u32 $0x7E, v53;
	(xrf1) =	vsort.dscd.msk.f32 $0xffff, v11, v1;
	v11 =	vld.idx.msk [tilespmem:v48+s2+$0x0], $0xffff  }
0x3e: {  	v62 =	vmov s13;
	v58 =	vor.u32 v6, v19;
	v59 =	vor.u32 v20, v21;
	(xrf1) =	vsort.dscd.msk.f32 $0xffff, v9, v3;
	v9 =	vld.idx.msk [tilespmem:v50+s2+$0x0], $0xffff  }
0x3f: {  	v23 =	vshll.u32 v62, $0x3;
	v61 =	vor.u32 v0, v59;
	v60 =	vld.idx.msk [tilespmem:v18+s2+$0x0], $0xffff;
	(xrf1) =	vsort.dscd.msk.f32 $0xffff, v51, v5  }
0x40: {  	v23 =	vand.u32 $0x1C00, v23;
	v40 =	vor.u32 v2, v59;
	v63, v22, _ =	vpop (xrf1);
	(xrf1) =	vsort.dscd.msk.f32 $0xffff, v10, v7;
	v10 =	vld.idx.msk [tilespmem:v52+s2+$0x0], $0xffff  }
0x41: {  	v20 =	vand.u32 $0x7F, v62;
	v42 =	vor.u32 v4, v59;
	v41 =	vld.idx.msk [tilespmem:v55+s2+$0x0], $0xffff;
	(xrf1) =	vsort.dscd.msk.f32 $0xffff, v54, v1  }
0x42: {  	v44 =	vor.u32 v20, v23;
	v43 =	vor.u32 v6, v59;
	v24, v25, _ =	vpop (xrf1);
	(xrf1) =	vsort.dscd.msk.f32 $0xffff, v11, v3;
	v11 =	vld.idx.msk [tilespmem:v57+s2+$0x0], $0xffff  }
0x43: {  	v45 =	vor.u32 v0, v44;
	v26, v27, _ =	vpop (xrf1);
	(xrf1) =	vsort.dscd.msk.f32 $0xffff, v9, v5;
	v9 =	vld.idx.msk [tilespmem:v58+s2+$0x0], $0xffff  }
0x44: {  	v47 =	vor.u32 v2, v44;
	v46 =	vld.idx.msk [tilespmem:v61+s2+$0x0], $0xffff;
	v20, v23, _ =	vpop (xrf1);
	(xrf1) =	vsort.dscd.msk.f32 $0xffff, v60, v7  }
0x45: {  	v48 =	vor.u32 v4, v44;
	v28, v29, _ =	vpop (xrf1);
	(xrf1) =	vsort.dscd.msk.f32 $0xffff, v10, v1;
	v10 =	vld.idx.msk [tilespmem:v40+s2+$0x0], $0xffff  }
0x46: {  	v49 =	vld.idx.msk [tilespmem:v42+s2+$0x0], $0xffff;
	v50 =	vor.u32 v6, v44;
	v30, v31, _ =	vpop (xrf1);
	(xrf1) =	vsort.dscd.msk.f32 $0xffff, v41, v3  }
0x47: {  	v25 =	vperm.xlane v25, v8;
	v32, v33, _ =	vpop (xrf1);
	(xrf1) =	vsort.dscd.msk.f32 $0xffff, v11, v5;
	v11 =	vld.idx.msk [tilespmem:v43+s2+$0x0], $0xffff  }
0x48: {  	v51, v34, _ =	vpop (xrf1);
	(xrf1) =	vsort.dscd.msk.f32 $0xffff, v9, v7;
	v9 =	vld.idx.msk [tilespmem:v45+s2+$0x0], $0xffff  }
0x49: {  	v54 =	vld.idx.msk [tilespmem:v47+s2+$0x0], $0xffff;
	v57 =	vperm.xlane v24, v8;
	v59 =	vsel vm0, v22, v25;
	v52, v35, _ =	vpop (xrf1);
	(xrf1) =	vsort.dscd.msk.f32 $0xffff, v46, v1  }
0x4a: {  	v20 =	vperm.xlane v20, v8;
	v23 =	vperm.xlane v23, v8;
	v53, v36, _ =	vpop (xrf1);
	(xrf1) =	vsort.dscd.msk.f32 $0xffff, v10, v3;
	v10 =	vld.idx.msk [tilespmem:v48+s2+$0x0], $0xffff  }
0x4b: {  	v56 =	vld.idx.msk [tilespmem:v50+s2+$0x0], $0xffff;
	v58 =	vsel vm0, v63, v57;
	v60 =	vperm.xlane v30, v8;
	v18, v37, _ =	vpop (xrf1);
	(xrf1) =	vsort.dscd.msk.f32 $0xffff, v49, v5  }
0x4c: {  	v61 =	vsel vm0, v26, v20;
	v30 =	vperm.xlane v31, v8;
	v55, v38, _ =	vpop (xrf1);
	(xrf1) =	vsort.dscd.msk.f32 $0xffff, v11, v7  }
0x4d: {  	v62 =	vsel vm0, v27, v23;
	v12 =	vsel vm0, v28, v60;
	v15, v39, _ =	vpop (xrf1);
	(xrf1) =	vsort.dscd.msk.f32 $0xffff, v9, v1  }
0x4e: {  	v31 =	vsel vm0, v29, v30;
	v19 =	vperm.xlane v51, v8;
	v11, v40, _ =	vpop (xrf1);
	(xrf1) =	vsort.dscd.msk.f32 $0xffff, v54, v3  }
0x4f: {  	v44 =	vperm.xlane v34, v8;
	v45 =	vperm.xlane v53, v8;
	v9, v41, _ =	vpop (xrf1);
	(xrf1) =	vsort.dscd.msk.f32 $0xffff, v10, v5  }
0x50: {  	v46 =	vsel vm0, v32, v19;
	v50 =	vperm.xlane v36, v8;
	v10, v24, _ =	vpop (xrf1);
	(xrf1) =	vsort.dscd.msk.f32 $0xffff, v56, v7  }
0x51: {  	v47 =	vsel vm0, v33, v44;
	v16 =	vperm.xlane v55, v8;
	v21, v22, _ =	vpop (xrf1);
	(xrf1) =	vsort.dscd.msk.f32 $0xffff, v58, v59  }
0x52: {  	v51 =	vsel vm0, v35, v50;
	v11 =	vperm.xlane v11, v8;
	v63, v25, _ =	vpop (xrf1);
	(xrf1) =	vsort.dscd.msk.f32 $0xffff, v61, v62  }
0x53: {  	v55 =	vsel vm0, v18, v16;
	v54 =	vperm.xlane v38, v8;
	v42, v43, _ =	vpop (xrf1);
	(xrf1) =	vsort.dscd.msk.f32 $0xffff, v12, v31  }
0x54: {  	v57 =	vperm.xlane v40, v8;
	v48, v49, _ =	vpop (xrf1);
	v12 =	vsel vm0, v52, v45;
	(xrf1) =	vsort.dscd.msk.f32 $0xffff, v46, v47  }
0x55: {  	v11 =	vsel vm0, v15, v11;
	v56 =	vsel vm0, v37, v54;
	v53, v52, _ =	vpop (xrf1);
	(xrf1) =	vsort.dscd.msk.f32 $0xffff, v12, v51  }
0x56: {  	v10 =	vperm.xlane v10, v8;
	v58 =	vsel vm0, v39, v57;
	v16, v18, _ =	vpop (xrf1);
	(xrf1) =	vsort.dscd.msk.f32 $0xffff, v55, v56  }
0x57: {  	v24 =	vperm.xlane v24, v8;
	v59, v60, _ =	vpop (xrf1);
	(xrf1) =	vsort.dscd.msk.f32 $0xffff, v11, v58;
	v11 =	vperm.xlane v63, v8  }
0x58: {  	v19 =	vperm.xlane v48, v8  }
0x59: {  	v9 =	vsel vm0, v9, v10;
	v10 =	vsel vm0, v41, v24;
	v63 =	vperm.xlane v25, v8  }
0x5a: {  	v19 =	vsel vm0, v42, v19;
	v18 =	vperm.xlane v18, v8;
	v25 =	vperm.xlane v49, v8  }
0x5b: {  	v61, v62, _ =	vpop (xrf1);
	(xrf1) =	vsort.dscd.msk.f32 $0xffff, v9, v10;
	v9 =	vsel vm0, v21, v11;
	v24 =	vsel vm0, v22, v63  }
0x5c: {  	v17 =	vsel vm0, v52, v18;
	v10, v11, _ =	vpop (xrf1);
	(xrf1) =	vsort.dscd.msk.f32 $0xffff, v9, v24;
	v9 =	vperm.xlane v16, v8  }
0x5d: {  	v12 =	vperm.xlane v61, v8;
	v32 =	vperm.xlane v62, v8;
	v29 =	vsel vm0, v43, v25;
	v28, v27, _ =	vpop (xrf1)  }
0x5e: {  	(xrf1) =	vsort.dscd.msk.f32 $0xffff, v19, v29;
	v9 =	vsel vm0, v53, v9;
	v36 =	vperm.xlane v27, v8  }
0x5f: {  	v31, v30, _ =	vpop (xrf1);
	(xrf1) =	vsort.dscd.msk.f32 $0xffff, v9, v17;
	v9 =	vperm.xlane v28, v8  }
0x60: {  	v12 =	vsel vm0, v59, v12;
	v35 =	vsel vm0, v60, v32;
	v34, v33, _ =	vpop (xrf1);
	v11 =	vsel vm0, v11, v36  }
0x61: {  	v38, v37, _ =	vpop (xrf1);
	(xrf1) =	vsort.dscd.msk.f32 $0xffff, v12, v35;
	v40 =	vperm.xlane v34, v8;
	v9 =	vsel vm0, v10, v9  }
0x62: {  	v41 =	vperm.xlane v33, v8;
	v10, v39, _ =	vpop (xrf1);
	(xrf1) =	vsort.dscd.msk.f32 $0xffff, v9, v11  }
0x63: {  	v9 =	vperm.xlane v10, v8;
	v13 =	vsel vm0, v31, v40;
	v12 =	vperm.xlane v39, v8  }
0x64: {  	v10, v11, _ =	vpop (xrf1)  }
0x65: {  	v42 =	vsel vm0, v30, v41;
	v9 =	vsel vm0, v38, v9;
	v12 =	vsel vm0, v37, v12;
	v44, v43, _ =	vpop (xrf1)  }
0x66: {  	(xrf1) =	vsort.dscd.msk.f32 $0xffff, v13, v42;
	v13, v14, _ =	vpop (xrf1);
	v15 =	vperm.xlane v44, v8;
	v16 =	vperm.xlane v43, v8  }
0x67: {  	(xrf1) =	vsort.dscd.msk.f32 $0xffff, v9, v12;
	v45, v46, _ =	vpop (xrf1)  }
0x68: {  	v9 =	vsel vm0, v10, v15;
	v10 =	vsel vm0, v11, v16;
	v11 =	vperm.xlane v45, v8  }
0x69: {  	(xrf1) =	vsort.dscd.msk.f32 $0xffff, v9, v10;
	v9 =	vperm.xlane v46, v8  }
0x6a: {  	v47, v48, _ =	vpop (xrf1);
	v11 =	vsel vm0, v13, v11  }
0x6b: {  	v10, v16, _ =	vpop (xrf1);
	v9 =	vsel vm0, v14, v9  }
0x6c: {  	v50, v49, _ =	vpop (xrf1);
	v10 =	vperm.xlane v10, v8;
	v51 =	vperm.xlane v16, v8  }
0x6d: {  	v53, v52, _ =	vpop (xrf1)  }
0x6e: {  	(xrf1) =	vsort.dscd.msk.f32 $0xffff, v11, v9;
	v9, v11, _ =	vpop (xrf1);
	v10 =	vsel vm0, v47, v10;
	v54 =	vsel vm0, v48, v51  }
0x6f: {  	v55 =	vperm.xlane v53, v8;
	v56, v57, _ =	vpop (xrf1);
	(xrf1) =	vsort.dscd.msk.f32 $0xffff, v10, v54;
	v10 =	vperm.xlane v52, v8  }
0x70: {  	v58, v59, _ =	vpop (xrf1);
	v16 =	vperm.xlane v57, v8  }
0x71: {  	v13 =	vsel vm0, v50, v55;
	v15 =	vperm.xlane v56, v8;
	v61, v60, _ =	vpop (xrf1);
	v10 =	vsel vm0, v49, v10  }
0x72: {  	(xrf1) =	vsort.dscd.msk.f32 $0xffff, v13, v10;
	v10 =	vperm.xlane v61, v8;
	v11 =	vsel vm0, v11, v16  }
0x73: {  	v63, v62, _ =	vpop (xrf1)  }
0x74: {  	v9 =	vsel vm0, v9, v15;
	v23 =	vperm.xlane v60, v8;
	v21, v22, _ =	vpop (xrf1)  }
0x75: {  	v24, v25, _ =	vpop (xrf1);
	(xrf1) =	vsort.dscd.msk.f32 $0xffff, v9, v11;
	v9 =	vsel vm0, v58, v10  }
0x76: {  	v26 =	vsel vm0, v59, v23;
	v13 =	vperm.xlane v21, v8;
	v14 =	vperm.xlane v22, v8;
	v10, v11, _ =	vpop (xrf1)  }
0x77: {  	(xrf1) =	vsort.dscd.msk.f32 $0xffff, v9, v26;
	v9 =	vperm.xlane v10, v8;
	v10, v27, _ =	vpop (xrf1);
	v11 =	vperm.xlane v11, v8  }
0x78: {  	v13 =	vsel vm0, v63, v13;
	v28, v29, _ =	vpop (xrf1)  }
0x79: {  	v14 =	vsel vm0, v62, v14;
	v11 =	vsel vm0, v25, v11;
	v31 =	vperm.xlane v29, v8  }
0x7a: {  	(xrf1) =	vsort.dscd.msk.f32 $0xffff, v13, v14;
	v9 =	vsel vm0, v24, v9;
	v30 =	vperm.xlane v28, v8  }
0x7b: {  	v12 =	vsel vm0, v27, v31  }
0x7c: {  	(xrf1) =	vsort.dscd.msk.f32 $0xffff, v9, v11;
	v10 =	vsel vm0, v10, v30  }
0x7d: {  	v9, v11, _ =	vpop (xrf1)  }
0x7e: {  	(xrf1) =	vsort.dscd.msk.f32 $0xffff, v10, v12;
	v32 =	vnsel vm0, $0x0, v9  }
0x7f: {  	v10, v12, _ =	vpop (xrf1);
	(xrf2) =	vadd.scan.msk.f32 $0xffff, v32  }
0x80: {  	v33 =	vnsel vm0, $0x0, v10  }
0x81: {  	(xrf2) =	vadd.scan.msk.f32 $0xffff, v33  }
0x82: {  	v35, v34, _ =	vpop (xrf1)  }
0x83: {  	v36 =	vnsel vm0, $0x0, v35  }
0x84: {  	(xrf2) =	vadd.scan.msk.f32 $0xffff, v36  }
0x85: {  	v37, v38, _ =	vpop (xrf1)  }
0x86: {  	v39 =	vnsel vm0, $0x0, v37  }
0x87: {  	v40, v41, _ =	vpop (xrf1);
	(xrf2) =	vadd.scan.msk.f32 $0xffff, v39  }
0x88: {  	v42 =	vnsel vm0, $0x0, v40;
	v44, v43, _ =	vpop (xrf1)  }
0x89: {  	(xrf2) =	vadd.scan.msk.f32 $0xffff, v42;
	v46 =	vnsel vm0, $0x0, v44;
	v45, _, _ =	vpop (xrf2)  }
0x8a: {  	v48, v47, _ =	vpop (xrf1);
	(xrf2) =	vadd.scan.msk.f32 $0xffff, v46;
	v15 =	vbroadcast v45, $0xF  }
0x8b: {  	v50 =	vnsel vm0, $0x0, v48;
	v49, _, _ =	vpop (xrf2)  }
0x8c: {  	(xrf2) =	vadd.scan.msk.f32 $0xffff, v50;
	v52, v53, _ =	vpop (xrf1);
	(erf) = vrcp.f32 v15;
	v51 =	vbroadcast v49, $0xF  }
0x8d: {  	v54 =	vnsel vm0, $0x0, v52  }
0x8e: {  	v55, _, _ =	vpop (xrf2);
	(xrf2) =	vadd.scan.msk.f32 $0xffff, v54;
	(erf) = vrcp.f32 v51  }
0x8f: {  	v15 =	vbroadcast v55, $0xF;
	_ =	sdelay $0x1  }
0x90: {  	v56, _, _ =	vpop (xrf2);
	(erf) = vrcp.f32 v15  }
0x91: {  	v57 =	vbroadcast v56, $0xF  }
0x92: {  	v58, _, _ =	vpop (xrf2)  }
0x93: {  	(erf) = vrcp.f32 v57;
	v59 =	vbroadcast v58, $0xF;
	v60, _, _ =	vpop (xrf2)  }
0x94: {  	v61 =	vpop (erf)  }
0x95: {  	(erf) = vrcp.f32 v59;
	v26 =	vbroadcast v60, $0xF;
	v62, _, _ =	vpop (xrf2)  }
0x96: {  	v9 =	vmul.f32 v61, v9;
	v63 =	vpop (erf)  }
0x97: {  	[tilespmem:s15+$0xFFFFFFE0] =	vst v11;
	(erf) = vrcp.f32 v26;
	v15 =	vbroadcast v62, $0xF;
	v11, _, _ =	vpop (xrf2)  }
0x98: {  	v10 =	vmul.f32 v63, v10;
	[tilespmem:s14+$0xFFFFFFE0] =	vst v9;
	v9 =	vbroadcast v11, $0xF  }
0x99: {  	(erf) = vrcp.f32 v15;
	v11 =	vpop (erf);
	[tilespmem:s15+$0xFFFFFFE8] =	vst v12  }
0x9a: {  	[tilespmem:s14+$0xFFFFFFE8] =	vst v10;
	v10 =	vmul.f32 v11, v35  }
0x9b: {  	(erf) = vrcp.f32 v9  }
0x9c: {  	[tilespmem:s15+$0xFFFFFFF0] =	vst v34;
	v9 =	vpop (erf)  }
0x9d: {  	[tilespmem:s14+$0xFFFFFFF0] =	vst v10;
	v9 =	vmul.f32 v9, v37  }
0x9e: {  	[tilespmem:s15+$0xFFFFFFF8] =	vst v38;
	v10 =	vpop (erf)  }
0x9f: {  	[tilespmem:s14+$0xFFFFFFF8] =	vst v9;
	v9 =	vmul.f32 v10, v40  }
0xa0: {  	v10 =	vpop (erf);
	[tilespmem:s15+$0x0] =	vst v41  }
0xa1: {  	[tilespmem:s14+$0x0] =	vst v9;
	v9 =	vmul.f32 v10, v44  }
0xa2: {  	p0 =	sne.s32 s13, $0x3FF;
	v10 =	vpop (erf);
	[tilespmem:s15+$0x8] =	vst v43  }
.Ltmp0:
0xa3: {  	[tilespmem:s14+$0x8] =	vst v9;
	v9 =	vmul.f32 v10, v48;
	(pc) =	sbr.rel @p0 .LBB2_2-.Ltmp0, $4  }
0xa4: {  	v10 =	vpop (erf);
	[tilespmem:s15+$0x10] =	vst v47  }
0xa5: {  	[tilespmem:s14+$0x10] =	vst v9;
	v9 =	vmul.f32 v10, v52  }
0xa6: {  	[tilespmem:s15+$0x18] =	vst v53  }
0xa7: {  	s13 =	sadd.s32 $0x8, s13;
	s15 =	sadd.s32 $0x40, s15;
	[tilespmem:s14+$0x18] =	vst v9;
	s14 =	sadd.s32 $0x40, s14  }
0xa8: {  	[hbm4b:s4+s2] =	stream.linear.scatter [tilespmem:s10], [sflag:$0x1], $0x2000, $0x38;
	[tilespmem:$0x14100] =	vst v63  }
0xa9: {  	s12 =	sadd.s32 $0x1, s12;
	_ =	swait.ge [sflag:s9], $0x2000  }
0xaa: {  	p0 =	sne.s32 s12, s6;
	[sflag:s9] =	ssyncset.done $0x0  }
.Ltmp1:
0xab: {  	[sflag:s9] =	ssyncadd.s32 $0xFFFFE000;
	(pc) =	sbr.rel @p0 .LBB2_1-.Ltmp1, $4  }
0xac: {  	[hbm4b:s5+s2] =	stream.linear.scatter [tilespmem:s11], [sflag:$0x1], $0x2000, $0x38;
	[tilespmem:$0x14100] =	vst v63  }
0xad: {  	_ =	swait.ge [sflag:s9], $0x2000  }
0xae: {  	[sflag:s9] =	ssyncset.done $0x0  }
0xaf: {  	[sflag:s9] =	ssyncadd.s32 $0xFFFFE000  }
0xb0: {  	_ =	sfence.sel $0x180000  }
0xb1: {  	[bflag:$0x0] =	sbarrier.arrive $0xFFFF  }
0xb2: {  	p0 =	sne.s32 s0, $0x0;
	_ =	strace $0x90000047  }
0xb3: {  	s0 =	sadd.s32 @!p0 $0x100000, s1;
	[bflag:$0x2] =	sbarrier.arrive $0xFFFF  }
0xb4: {  	[sflag:s0] =	ssyncadd.tile.s32 @!p0 $0x1;
	_ =	shalt  }
.Lfunc_end2:
_tile_overlayer_lowered:
.L_overlay_start_2:
0xb5: {  	(tag) =	ssettag $0x2  }
0xb6: {  	s0 =	rddreg [dreg:$0x0];
	s2 =	stileid.u32  }
0xb7: {  	s1 =	rddreg [dreg:$0x1];
	p0 =	sne.s32 s2, $0x0  }
0xb8: {  	s3 =	rddreg [dreg:$0x2];
	[bflag:$0x3] =	sbarrier.arrive $0xFFFF;
	s2 =	simm.s32 @!p0 $0x1C01  }
0xb9: {  	[timem:s3], [sflag:s2] =	dma.local @!p0 [hbm:s0], s1  }
0xba: {  	s0 =	simm.s32 @!p0 $0x1  }
0xbb: {  	_ =	swait.ge @!p0 [sflag:s0], s1  }
0xbc: {  	s1 =	ssub.s32 @!p0 $0x0, s1;
	[sflag:s0] =	ssyncset.done @!p0 $0x0  }
0xbd: {  	[sflag:s0] =	ssyncadd.s32 @!p0 s1  }
0xbe: {  	[bflag:$0x3] =	sbarrier.arrive $0xFFFF  }
0xbf: {  	_ =	shalt  }

</sc_bundles>
